<compile_context>
chip_gen: v7x
topology: tpu7x:2x2x1
jax: 0.10.2.dev20260603
libtpu: 0.0.44.dev20260713+nightly
codegen_flags: <defaults>
</compile_context>

<pallas_src>
import functools

import jax
import jax.numpy as jnp
from jax import lax
from jax.experimental import pallas as pl
from jax.experimental.pallas import tpu as pltpu
from jax.experimental.pallas import tpu_sc as plsc

NC = 2
NS = 16
L = 16
NW = NC * NS
HALF = 4


@functools.lru_cache(maxsize=None)
def _build(B, F, V, D):
    n_tasks = F * D
    DSH = D.bit_length() - 1
    assert n_tasks % NW == 0 and (1 << DSH) == D
    per_w = n_tasks // NW
    BH = B // HALF

    mesh = plsc.VectorSubcoreMesh(core_axis_name="c", subcore_axis_name="s")

    @functools.partial(
        pl.kernel,
        mesh=mesh,
        out_type=jax.ShapeDtypeStruct((n_tasks * B,), jnp.float32),
        scratch_types=[
            pltpu.VMEM((V,), jnp.float32),
            pltpu.VMEM((B,), jnp.int32),
            pltpu.VMEM((2, BH), jnp.float32),
            pltpu.SemaphoreType.DMA,
        ],
        compiler_params=pltpu.CompilerParams(use_tc_tiling_on_sc=False, needs_layout_passes=False),
    )
    def gather_kernel(xt_hbm, tab_hbm, out_hbm, src_v, x_v, out_v, osem):
        wid = lax.axis_index("s") * NC + lax.axis_index("c")
        t0 = wid * per_w
        j_first = lax.shift_right_logical(t0, DSH)
        pltpu.sync_copy(xt_hbm.at[pl.ds(pl.multiple_of(j_first * B, 8), B)],
                        x_v)

        def task_body(tau, j_prev):
            tid = t0 + tau
            j = lax.shift_right_logical(tid, DSH)
            d = tid - lax.shift_left(j, DSH)

            @pl.when(j != j_prev)
            def _():
                pltpu.sync_copy(
                    xt_hbm.at[pl.ds(pl.multiple_of(j * B, 8), B)], x_v)

            tbase = pl.multiple_of(tid * V, 8)
            pltpu.sync_copy(tab_hbm.at[pl.ds(tbase, V)], src_v)
            cps = [None, None]
            for h in range(HALF):
                buf = h % 2
                if cps[buf] is not None:
                    cps[buf].wait()
                obuf = out_v.at[buf]

                def gather128(i, carry):
                    for u in range(8):
                        sl = pl.ds(h * BH + i * 8 * L + u * L, L)
                        obuf[pl.ds(i * 8 * L + u * L, L)] = (
                            plsc.load_gather(src_v, [x_v[sl]]))
                    return carry

                lax.fori_loop(0, BH // (8 * L), gather128, None)
                obase = pl.multiple_of(tid * B + h * BH, 8)
                cps[buf] = pltpu.async_copy(
                    obuf, out_hbm.at[pl.ds(obase, BH)], osem)
            for cp in cps:
                cp.wait()
            return j

        lax.fori_loop(0, per_w, task_body, j_first)

    return gather_kernel


def kernel(x_cat, tables):
    B, F = x_cat.shape
    _, V, D = tables.shape
    xt = x_cat.T.reshape(-1)
    tabt = tables.transpose(0, 2, 1).reshape(-1)
    out = _build(B, F, V, D)(xt, tabt)
    return out.reshape(F * D, B).T.reshape(B, F * D)

# --- scband reference (transcript-rebuilt; emitter-appended) ---
"""Pipeline reference for scband-embedding-block-2585570312698 (READ-ONLY COPY).

The authoritative reference and input builder live on the scoring server;
editing this copy changes nothing except your own understanding.
"""

import jax, jax.numpy as jnp
import numpy as np

NUM_FIELDS = 26
VOCAB = 100000
EMB_DIM = 32
BATCH = 16384


def setup_inputs(seed: int = 0) -> dict:
    key = jax.random.key(seed)
    k_idx, k_tab = jax.random.split(key)
    x_cat = jax.random.randint(k_idx, (BATCH, NUM_FIELDS), 0, VOCAB, dtype=jnp.int32)
    # One embedding table per categorical field, stacked: [NUM_FIELDS, VOCAB, EMB_DIM]
    tables = jax.random.normal(k_tab, (NUM_FIELDS, VOCAB, EMB_DIM), dtype=jnp.float32) * 0.01
    return {"x_cat": x_cat, "tables": tables}


def reference(x_cat, tables):
    # Faithful translation of EmbeddingBlock.forward:
    # per-field embedding lookup (gather) followed by concat along feature dim.
    zs = [jnp.take(tables[j], x_cat[:, j], axis=0) for j in range(NUM_FIELDS)]
    return jnp.concatenate(zs, axis=1)

if __name__ == "__main__":
    import jax
    _d = setup_inputs()
    print(jax.jit(kernel)(*tuple(_d.values())))

</pallas_src>

<mosaic_0001>
#map = affine_map<(d0, d1) -> (0)>
module attributes {stable_mosaic.version = 14 : i64} {
  func.func @gather_kernel(%arg0: i32, %arg1: i32, %arg2: memref<425984xi32, #tpu.memory_space<hbm>>, %arg3: memref<83200000xf32, #tpu.memory_space<hbm>>, %arg4: memref<13631488xf32, #tpu.memory_space<hbm>>, %arg5: memref<100000xf32, #tpu.memory_space<vmem>>, %arg6: memref<16384xi32, #tpu.memory_space<vmem>>, %arg7: memref<2x4096xf32, #tpu.memory_space<vmem>>, %arg8: memref<!tpu.dma_semaphore, #tpu.memory_space<semaphore_mem>>) attributes {dimension_semantics = [#tpu.dimension_semantics<core_parallel>, #tpu.dimension_semantics<subcore_parallel>], iteration_bounds = array<i64: 2, 16>, scalar_prefetch = 0 : i64, scratch_operands = 4 : i64, tpu.core_type = #tpu.core_type<sc_vector_subcore>, window_params = [{transform_indices = #map}, {transform_indices = #map}, {transform_indices = #map}]} {
    %mul3A = arith.constant 2 : i32
    %mul3A_0 = arith.muli %arg1, %mul3A : i32
    %add3A = arith.addi %mul3A_0, %arg0 : i32
    %mul3A_1 = arith.constant 26 : i32
    %mul3A_2 = arith.muli %add3A, %mul3A_1 : i32
    %shift_right_logical3A = arith.constant 5 : i32
    %shift_right_logical3A_3 = arith.shrui %mul3A_2, %shift_right_logical3A : i32
    %mul3A_4 = arith.constant 16384 : i32
    %mul3A_5 = arith.muli %shift_right_logical3A_3, %mul3A_4 : i32
    %multiple_of3A = tpu.assume_multiple %mul3A_5, 8 : i32
    "tpu.region"() ({
      %run_scoped3A = tpu.sem_alloc : memref<!tpu.dma_semaphore, #tpu.memory_space<semaphore_mem>>
      %dma_start3A = tpu.memref_slice %arg2[%multiple_of3A] : memref<425984xi32, #tpu.memory_space<hbm>> -> memref<16384xi32, #tpu.memory_space<hbm>>
      %dma_start3A_11 = tpu.memref_slice %arg2[%multiple_of3A] : memref<425984xi32, #tpu.memory_space<hbm>> -> memref<16384xi32, #tpu.memory_space<hbm>>
      tpu.enqueue_dma source(%dma_start3A_11 : memref<16384xi32, #tpu.memory_space<hbm>>) target(%arg6 : memref<16384xi32, #tpu.memory_space<vmem>>) target_semaphore(%run_scoped3A : memref<!tpu.dma_semaphore, #tpu.memory_space<semaphore_mem>>)
      %dma_wait3A = tpu.memref_slice %arg2[%multiple_of3A] : memref<425984xi32, #tpu.memory_space<hbm>> -> memref<16384xi32, #tpu.memory_space<hbm>>
      %dma_wait3A_12 = tpu.memref_slice %arg2[%multiple_of3A] : memref<425984xi32, #tpu.memory_space<hbm>> -> memref<16384xi32, #tpu.memory_space<hbm>>
      tpu.wait_dma2 semaphore(%run_scoped3A : memref<!tpu.dma_semaphore, #tpu.memory_space<semaphore_mem>>) src(%dma_wait3A_12 : memref<16384xi32, #tpu.memory_space<hbm>>) dst(%arg6 : memref<16384xi32, #tpu.memory_space<vmem>>)
      tpu.yield
    }) : () -> ()
    %scan3A = arith.constant 0 : i32
    %scan3A_6 = arith.constant 26 : i32
    %scan3A_7 = arith.addi %scan3A, %scan3A_6 : i32
    %scan3A_8 = arith.constant 1 : i32
    %scan3A_9 = scf.for %scan3A_11 = %scan3A to %scan3A_7 step %scan3A_8 iter_args(%scan3A_12 = %shift_right_logical3A_3) -> (i32)  : i32 {
      %add3A_13 = arith.addi %mul3A_2, %scan3A_11 : i32
      %shift_right_logical3A_14 = arith.constant 5 : i32
      %shift_right_logical3A_15 = arith.shrui %add3A_13, %shift_right_logical3A_14 : i32
      %shift_left3A = arith.constant 5 : i32
      %shift_left3A_16 = arith.shli %shift_right_logical3A_15, %shift_left3A : i32
      %sub3A = arith.subi %add3A_13, %shift_left3A_16 : i32
      %ne3A = arith.cmpi ne, %shift_right_logical3A_15, %scan3A_12 : i32
      %convert_element_type3A = arith.extui %ne3A : i1 to i32
      %cond3A = arith.constant 0 : i32
      %cond3A_17 = arith.cmpi ne, %convert_element_type3A, %cond3A : i32
      scf.if %cond3A_17 {
        %mul3A_135 = arith.constant 16384 : i32
        %mul3A_136 = arith.muli %shift_right_logical3A_15, %mul3A_135 : i32
        %multiple_of3A_137 = tpu.assume_multiple %mul3A_136, 8 : i32
        "tpu.region"() ({
          %run_scoped3A = tpu.sem_alloc : memref<!tpu.dma_semaphore, #tpu.memory_space<semaphore_mem>>
          %dma_start3A_138 = tpu.memref_slice %arg2[%multiple_of3A_137] : memref<425984xi32, #tpu.memory_space<hbm>> -> memref<16384xi32, #tpu.memory_space<hbm>>
          %dma_start3A_139 = tpu.memref_slice %arg2[%multiple_of3A_137] : memref<425984xi32, #tpu.memory_space<hbm>> -> memref<16384xi32, #tpu.memory_space<hbm>>
          tpu.enqueue_dma source(%dma_start3A_139 : memref<16384xi32, #tpu.memory_space<hbm>>) target(%arg6 : memref<16384xi32, #tpu.memory_space<vmem>>) target_semaphore(%run_scoped3A : memref<!tpu.dma_semaphore, #tpu.memory_space<semaphore_mem>>)
          %dma_wait3A_140 = tpu.memref_slice %arg2[%multiple_of3A_137] : memref<425984xi32, #tpu.memory_space<hbm>> -> memref<16384xi32, #tpu.memory_space<hbm>>
          %dma_wait3A_141 = tpu.memref_slice %arg2[%multiple_of3A_137] : memref<425984xi32, #tpu.memory_space<hbm>> -> memref<16384xi32, #tpu.memory_space<hbm>>
          tpu.wait_dma2 semaphore(%run_scoped3A : memref<!tpu.dma_semaphore, #tpu.memory_space<semaphore_mem>>) src(%dma_wait3A_141 : memref<16384xi32, #tpu.memory_space<hbm>>) dst(%arg6 : memref<16384xi32, #tpu.memory_space<vmem>>)
          tpu.yield
        }) : () -> ()
      } else {
      }
      %mul3A_18 = arith.constant 100000 : i32
      %mul3A_19 = arith.muli %add3A_13, %mul3A_18 : i32
      %multiple_of3A_20 = tpu.assume_multiple %mul3A_19, 8 : i32
      "tpu.region"() ({
        %run_scoped3A = tpu.sem_alloc : memref<!tpu.dma_semaphore, #tpu.memory_space<semaphore_mem>>
        %dma_start3A_135 = tpu.memref_slice %arg3[%multiple_of3A_20] : memref<83200000xf32, #tpu.memory_space<hbm>> -> memref<100000xf32, #tpu.memory_space<hbm>>
        %dma_start3A_136 = tpu.memref_slice %arg3[%multiple_of3A_20] : memref<83200000xf32, #tpu.memory_space<hbm>> -> memref<100000xf32, #tpu.memory_space<hbm>>
        tpu.enqueue_dma source(%dma_start3A_136 : memref<100000xf32, #tpu.memory_space<hbm>>) target(%arg5 : memref<100000xf32, #tpu.memory_space<vmem>>) target_semaphore(%run_scoped3A : memref<!tpu.dma_semaphore, #tpu.memory_space<semaphore_mem>>)
        %dma_wait3A_137 = tpu.memref_slice %arg3[%multiple_of3A_20] : memref<83200000xf32, #tpu.memory_space<hbm>> -> memref<100000xf32, #tpu.memory_space<hbm>>
        %dma_wait3A_138 = tpu.memref_slice %arg3[%multiple_of3A_20] : memref<83200000xf32, #tpu.memory_space<hbm>> -> memref<100000xf32, #tpu.memory_space<hbm>>
        tpu.wait_dma2 semaphore(%run_scoped3A : memref<!tpu.dma_semaphore, #tpu.memory_space<semaphore_mem>>) src(%dma_wait3A_138 : memref<100000xf32, #tpu.memory_space<hbm>>) dst(%arg5 : memref<100000xf32, #tpu.memory_space<vmem>>)
        tpu.yield
      }) : () -> ()
      %scan3A_21 = arith.constant 0 : i32
      %scan3A_22 = arith.constant 0 : i32
      %scan3A_23 = arith.constant 32 : i32
      %scan3A_24 = arith.addi %scan3A_22, %scan3A_23 : i32
      %scan3A_25 = arith.constant 1 : i32
      scf.for %scan3A_135 = %scan3A_22 to %scan3A_24 step %scan3A_25  : i32 {
        %mul3A_136 = arith.constant 8 : i32
        %mul3A_137 = arith.muli %scan3A_135, %mul3A_136 : i32
        %mul3A_138 = arith.constant 16 : i32
        %mul3A_139 = arith.muli %mul3A_137, %mul3A_138 : i32
        %add3A_140 = arith.constant 0 : i32
        %add3A_141 = arith.addi %add3A_140, %mul3A_139 : i32
        %add3A_142 = arith.constant 0 : i32
        %add3A_143 = arith.addi %add3A_141, %add3A_142 : i32
        %get3A = arith.index_cast %add3A_143 : i32 to index
        %get3A_144 = tpu.vector_load %arg6[%get3A] {strides = array<i32>} : memref<16384xi32, #tpu.memory_space<vmem>>, vector<16xi32>,
        %gather3A = tpu.vector_load_idx %arg5[%get3A_144] : memref<100000xf32, #tpu.memory_space<vmem>>[vector<16xi32>], vector<16xf32>,
        %mul3A_145 = arith.constant 8 : i32
        %mul3A_146 = arith.muli %scan3A_135, %mul3A_145 : i32
        %mul3A_147 = arith.constant 16 : i32
        %mul3A_148 = arith.muli %mul3A_146, %mul3A_147 : i32
        %add3A_149 = arith.constant 0 : i32
        %add3A_150 = arith.addi %mul3A_148, %add3A_149 : i32
        %swap3A = arith.constant 0 : i32
        %swap3A_151 = tpu.memref_slice %arg7[%scan3A_21, %swap3A] : memref<2x4096xf32, #tpu.memory_space<vmem>> -> memref<1x4096xf32, #tpu.memory_space<vmem>>
        %swap3A_152 = tpu.memref_squeeze %swap3A_151 : memref<1x4096xf32, #tpu.memory_space<vmem>> -> memref<4096xf32, #tpu.memory_space<vmem>>
        %swap3A_153 = arith.index_cast %add3A_150 : i32 to index
        %swap3A_154 = tpu.vector_load %swap3A_152[%swap3A_153] {strides = array<i32>} : memref<4096xf32, #tpu.memory_space<vmem>>, vector<16xf32>,
        tpu.vector_store %swap3A_152[%swap3A_153], %gather3A {strides = array<i32>} : memref<4096xf32, #tpu.memory_space<vmem>>, vector<16xf32>,
        %mul3A_155 = arith.constant 8 : i32
        %mul3A_156 = arith.muli %scan3A_135, %mul3A_155 : i32
        %mul3A_157 = arith.constant 16 : i32
        %mul3A_158 = arith.muli %mul3A_156, %mul3A_157 : i32
        %add3A_159 = arith.constant 0 : i32
        %add3A_160 = arith.addi %add3A_159, %mul3A_158 : i32
        %add3A_161 = arith.constant 16 : i32
        %add3A_162 = arith.addi %add3A_160, %add3A_161 : i32
        %get3A_163 = arith.index_cast %add3A_162 : i32 to index
        %get3A_164 = tpu.vector_load %arg6[%get3A_163] {strides = array<i32>} : memref<16384xi32, #tpu.memory_space<vmem>>, vector<16xi32>,
        %gather3A_165 = tpu.vector_load_idx %arg5[%get3A_164] : memref<100000xf32, #tpu.memory_space<vmem>>[vector<16xi32>], vector<16xf32>,
        %mul3A_166 = arith.constant 8 : i32
        %mul3A_167 = arith.muli %scan3A_135, %mul3A_166 : i32
        %mul3A_168 = arith.constant 16 : i32
        %mul3A_169 = arith.muli %mul3A_167, %mul3A_168 : i32
        %add3A_170 = arith.constant 16 : i32
        %add3A_171 = arith.addi %mul3A_169, %add3A_170 : i32
        %swap3A_172 = arith.constant 0 : i32
        %swap3A_173 = tpu.memref_slice %arg7[%scan3A_21, %swap3A_172] : memref<2x4096xf32, #tpu.memory_space<vmem>> -> memref<1x4096xf32, #tpu.memory_space<vmem>>
        %swap3A_174 = tpu.memref_squeeze %swap3A_173 : memref<1x4096xf32, #tpu.memory_space<vmem>> -> memref<4096xf32, #tpu.memory_space<vmem>>
        %swap3A_175 = arith.index_cast %add3A_171 : i32 to index
        %swap3A_176 = tpu.vector_load %swap3A_174[%swap3A_175] {strides = array<i32>} : memref<4096xf32, #tpu.memory_space<vmem>>, vector<16xf32>,
        tpu.vector_store %swap3A_174[%swap3A_175], %gather3A_165 {strides = array<i32>} : memref<4096xf32, #tpu.memory_space<vmem>>, vector<16xf32>,
        %mul3A_177 = arith.constant 8 : i32
        %mul3A_178 = arith.muli %scan3A_135, %mul3A_177 : i32
        %mul3A_179 = arith.constant 16 : i32
        %mul3A_180 = arith.muli %mul3A_178, %mul3A_179 : i32
        %add3A_181 = arith.constant 0 : i32
        %add3A_182 = arith.addi %add3A_181, %mul3A_180 : i32
        %add3A_183 = arith.constant 32 : i32
        %add3A_184 = arith.addi %add3A_182, %add3A_183 : i32
        %get3A_185 = arith.index_cast %add3A_184 : i32 to index
        %get3A_186 = tpu.vector_load %arg6[%get3A_185] {strides = array<i32>} : memref<16384xi32, #tpu.memory_space<vmem>>, vector<16xi32>,
        %gather3A_187 = tpu.vector_load_idx %arg5[%get3A_186] : memref<100000xf32, #tpu.memory_space<vmem>>[vector<16xi32>], vector<16xf32>,
        %mul3A_188 = arith.constant 8 : i32
        %mul3A_189 = arith.muli %scan3A_135, %mul3A_188 : i32
        %mul3A_190 = arith.constant 16 : i32
        %mul3A_191 = arith.muli %mul3A_189, %mul3A_190 : i32
        %add3A_192 = arith.constant 32 : i32
        %add3A_193 = arith.addi %mul3A_191, %add3A_192 : i32
        %swap3A_194 = arith.constant 0 : i32
        %swap3A_195 = tpu.memref_slice %arg7[%scan3A_21, %swap3A_194] : memref<2x4096xf32, #tpu.memory_space<vmem>> -> memref<1x4096xf32, #tpu.memory_space<vmem>>
        %swap3A_196 = tpu.memref_squeeze %swap3A_195 : memref<1x4096xf32, #tpu.memory_space<vmem>> -> memref<4096xf32, #tpu.memory_space<vmem>>
        %swap3A_197 = arith.index_cast %add3A_193 : i32 to index
        %swap3A_198 = tpu.vector_load %swap3A_196[%swap3A_197] {strides = array<i32>} : memref<4096xf32, #tpu.memory_space<vmem>>, vector<16xf32>,
        tpu.vector_store %swap3A_196[%swap3A_197], %gather3A_187 {strides = array<i32>} : memref<4096xf32, #tpu.memory_space<vmem>>, vector<16xf32>,
        %mul3A_199 = arith.constant 8 : i32
        %mul3A_200 = arith.muli %scan3A_135, %mul3A_199 : i32
        %mul3A_201 = arith.constant 16 : i32
        %mul3A_202 = arith.muli %mul3A_200, %mul3A_201 : i32
        %add3A_203 = arith.constant 0 : i32
        %add3A_204 = arith.addi %add3A_203, %mul3A_202 : i32
        %add3A_205 = arith.constant 48 : i32
        %add3A_206 = arith.addi %add3A_204, %add3A_205 : i32
        %get3A_207 = arith.index_cast %add3A_206 : i32 to index
        %get3A_208 = tpu.vector_load %arg6[%get3A_207] {strides = array<i32>} : memref<16384xi32, #tpu.memory_space<vmem>>, vector<16xi32>,
        %gather3A_209 = tpu.vector_load_idx %arg5[%get3A_208] : memref<100000xf32, #tpu.memory_space<vmem>>[vector<16xi32>], vector<16xf32>,
        %mul3A_210 = arith.constant 8 : i32
        %mul3A_211 = arith.muli %scan3A_135, %mul3A_210 : i32
        %mul3A_212 = arith.constant 16 : i32
        %mul3A_213 = arith.muli %mul3A_211, %mul3A_212 : i32
        %add3A_214 = arith.constant 48 : i32
        %add3A_215 = arith.addi %mul3A_213, %add3A_214 : i32
        %swap3A_216 = arith.constant 0 : i32
        %swap3A_217 = tpu.memref_slice %arg7[%scan3A_21, %swap3A_216] : memref<2x4096xf32, #tpu.memory_space<vmem>> -> memref<1x4096xf32, #tpu.memory_space<vmem>>
        %swap3A_218 = tpu.memref_squeeze %swap3A_217 : memref<1x4096xf32, #tpu.memory_space<vmem>> -> memref<4096xf32, #tpu.memory_space<vmem>>
        %swap3A_219 = arith.index_cast %add3A_215 : i32 to index
        %swap3A_220 = tpu.vector_load %swap3A_218[%swap3A_219] {strides = array<i32>} : memref<4096xf32, #tpu.memory_space<vmem>>, vector<16xf32>,
        tpu.vector_store %swap3A_218[%swap3A_219], %gather3A_209 {strides = array<i32>} : memref<4096xf32, #tpu.memory_space<vmem>>, vector<16xf32>,
        %mul3A_221 = arith.constant 8 : i32
        %mul3A_222 = arith.muli %scan3A_135, %mul3A_221 : i32
        %mul3A_223 = arith.constant 16 : i32
        %mul3A_224 = arith.muli %mul3A_222, %mul3A_223 : i32
        %add3A_225 = arith.constant 0 : i32
        %add3A_226 = arith.addi %add3A_225, %mul3A_224 : i32
        %add3A_227 = arith.constant 64 : i32
        %add3A_228 = arith.addi %add3A_226, %add3A_227 : i32
        %get3A_229 = arith.index_cast %add3A_228 : i32 to index
        %get3A_230 = tpu.vector_load %arg6[%get3A_229] {strides = array<i32>} : memref<16384xi32, #tpu.memory_space<vmem>>, vector<16xi32>,
        %gather3A_231 = tpu.vector_load_idx %arg5[%get3A_230] : memref<100000xf32, #tpu.memory_space<vmem>>[vector<16xi32>], vector<16xf32>,
        %mul3A_232 = arith.constant 8 : i32
        %mul3A_233 = arith.muli %scan3A_135, %mul3A_232 : i32
        %mul3A_234 = arith.constant 16 : i32
        %mul3A_235 = arith.muli %mul3A_233, %mul3A_234 : i32
        %add3A_236 = arith.constant 64 : i32
        %add3A_237 = arith.addi %mul3A_235, %add3A_236 : i32
        %swap3A_238 = arith.constant 0 : i32
        %swap3A_239 = tpu.memref_slice %arg7[%scan3A_21, %swap3A_238] : memref<2x4096xf32, #tpu.memory_space<vmem>> -> memref<1x4096xf32, #tpu.memory_space<vmem>>
        %swap3A_240 = tpu.memref_squeeze %swap3A_239 : memref<1x4096xf32, #tpu.memory_space<vmem>> -> memref<4096xf32, #tpu.memory_space<vmem>>
        %swap3A_241 = arith.index_cast %add3A_237 : i32 to index
        %swap3A_242 = tpu.vector_load %swap3A_240[%swap3A_241] {strides = array<i32>} : memref<4096xf32, #tpu.memory_space<vmem>>, vector<16xf32>,
        tpu.vector_store %swap3A_240[%swap3A_241], %gather3A_231 {strides = array<i32>} : memref<4096xf32, #tpu.memory_space<vmem>>, vector<16xf32>,
        %mul3A_243 = arith.constant 8 : i32
        %mul3A_244 = arith.muli %scan3A_135, %mul3A_243 : i32
        %mul3A_245 = arith.constant 16 : i32
        %mul3A_246 = arith.muli %mul3A_244, %mul3A_245 : i32
        %add3A_247 = arith.constant 0 : i32
        %add3A_248 = arith.addi %add3A_247, %mul3A_246 : i32
        %add3A_249 = arith.constant 80 : i32
        %add3A_250 = arith.addi %add3A_248, %add3A_249 : i32
        %get3A_251 = arith.index_cast %add3A_250 : i32 to index
        %get3A_252 = tpu.vector_load %arg6[%get3A_251] {strides = array<i32>} : memref<16384xi32, #tpu.memory_space<vmem>>, vector<16xi32>,
        %gather3A_253 = tpu.vector_load_idx %arg5[%get3A_252] : memref<100000xf32, #tpu.memory_space<vmem>>[vector<16xi32>], vector<16xf32>,
        %mul3A_254 = arith.constant 8 : i32
        %mul3A_255 = arith.muli %scan3A_135, %mul3A_254 : i32
        %mul3A_256 = arith.constant 16 : i32
        %mul3A_257 = arith.muli %mul3A_255, %mul3A_256 : i32
        %add3A_258 = arith.constant 80 : i32
        %add3A_259 = arith.addi %mul3A_257, %add3A_258 : i32
        %swap3A_260 = arith.constant 0 : i32
        %swap3A_261 = tpu.memref_slice %arg7[%scan3A_21, %swap3A_260] : memref<2x4096xf32, #tpu.memory_space<vmem>> -> memref<1x4096xf32, #tpu.memory_space<vmem>>
        %swap3A_262 = tpu.memref_squeeze %swap3A_261 : memref<1x4096xf32, #tpu.memory_space<vmem>> -> memref<4096xf32, #tpu.memory_space<vmem>>
        %swap3A_263 = arith.index_cast %add3A_259 : i32 to index
        %swap3A_264 = tpu.vector_load %swap3A_262[%swap3A_263] {strides = array<i32>} : memref<4096xf32, #tpu.memory_space<vmem>>, vector<16xf32>,
        tpu.vector_store %swap3A_262[%swap3A_263], %gather3A_253 {strides = array<i32>} : memref<4096xf32, #tpu.memory_space<vmem>>, vector<16xf32>,
        %mul3A_265 = arith.constant 8 : i32
        %mul3A_266 = arith.muli %scan3A_135, %mul3A_265 : i32
        %mul3A_267 = arith.constant 16 : i32
        %mul3A_268 = arith.muli %mul3A_266, %mul3A_267 : i32
        %add3A_269 = arith.constant 0 : i32
        %add3A_270 = arith.addi %add3A_269, %mul3A_268 : i32
        %add3A_271 = arith.constant 96 : i32
        %add3A_272 = arith.addi %add3A_270, %add3A_271 : i32
        %get3A_273 = arith.index_cast %add3A_272 : i32 to index
        %get3A_274 = tpu.vector_load %arg6[%get3A_273] {strides = array<i32>} : memref<16384xi32, #tpu.memory_space<vmem>>, vector<16xi32>,
        %gather3A_275 = tpu.vector_load_idx %arg5[%get3A_274] : memref<100000xf32, #tpu.memory_space<vmem>>[vector<16xi32>], vector<16xf32>,
        %mul3A_276 = arith.constant 8 : i32
        %mul3A_277 = arith.muli %scan3A_135, %mul3A_276 : i32
        %mul3A_278 = arith.constant 16 : i32
        %mul3A_279 = arith.muli %mul3A_277, %mul3A_278 : i32
        %add3A_280 = arith.constant 96 : i32
        %add3A_281 = arith.addi %mul3A_279, %add3A_280 : i32
        %swap3A_282 = arith.constant 0 : i32
        %swap3A_283 = tpu.memref_slice %arg7[%scan3A_21, %swap3A_282] : memref<2x4096xf32, #tpu.memory_space<vmem>> -> memref<1x4096xf32, #tpu.memory_space<vmem>>
        %swap3A_284 = tpu.memref_squeeze %swap3A_283 : memref<1x4096xf32, #tpu.memory_space<vmem>> -> memref<4096xf32, #tpu.memory_space<vmem>>
        %swap3A_285 = arith.index_cast %add3A_281 : i32 to index
        %swap3A_286 = tpu.vector_load %swap3A_284[%swap3A_285] {strides = array<i32>} : memref<4096xf32, #tpu.memory_space<vmem>>, vector<16xf32>,
        tpu.vector_store %swap3A_284[%swap3A_285], %gather3A_275 {strides = array<i32>} : memref<4096xf32, #tpu.memory_space<vmem>>, vector<16xf32>,
        %mul3A_287 = arith.constant 8 : i32
        %mul3A_288 = arith.muli %scan3A_135, %mul3A_287 : i32
        %mul3A_289 = arith.constant 16 : i32
        %mul3A_290 = arith.muli %mul3A_288, %mul3A_289 : i32
        %add3A_291 = arith.constant 0 : i32
        %add3A_292 = arith.addi %add3A_291, %mul3A_290 : i32
        %add3A_293 = arith.constant 112 : i32
        %add3A_294 = arith.addi %add3A_292, %add3A_293 : i32
        %get3A_295 = arith.index_cast %add3A_294 : i32 to index
        %get3A_296 = tpu.vector_load %arg6[%get3A_295] {strides = array<i32>} : memref<16384xi32, #tpu.memory_space<vmem>>, vector<16xi32>,
        %gather3A_297 = tpu.vector_load_idx %arg5[%get3A_296] : memref<100000xf32, #tpu.memory_space<vmem>>[vector<16xi32>], vector<16xf32>,
        %mul3A_298 = arith.constant 8 : i32
        %mul3A_299 = arith.muli %scan3A_135, %mul3A_298 : i32
        %mul3A_300 = arith.constant 16 : i32
        %mul3A_301 = arith.muli %mul3A_299, %mul3A_300 : i32
        %add3A_302 = arith.constant 112 : i32
        %add3A_303 = arith.addi %mul3A_301, %add3A_302 : i32
        %swap3A_304 = arith.constant 0 : i32
        %swap3A_305 = tpu.memref_slice %arg7[%scan3A_21, %swap3A_304] : memref<2x4096xf32, #tpu.memory_space<vmem>> -> memref<1x4096xf32, #tpu.memory_space<vmem>>
        %swap3A_306 = tpu.memref_squeeze %swap3A_305 : memref<1x4096xf32, #tpu.memory_space<vmem>> -> memref<4096xf32, #tpu.memory_space<vmem>>
        %swap3A_307 = arith.index_cast %add3A_303 : i32 to index
        %swap3A_308 = tpu.vector_load %swap3A_306[%swap3A_307] {strides = array<i32>} : memref<4096xf32, #tpu.memory_space<vmem>>, vector<16xf32>,
        tpu.vector_store %swap3A_306[%swap3A_307], %gather3A_297 {strides = array<i32>} : memref<4096xf32, #tpu.memory_space<vmem>>, vector<16xf32>,
      }
      %scan3A_26 = arith.constant 32 : i32
      %mul3A_27 = arith.constant 16384 : i32
      %mul3A_28 = arith.muli %add3A_13, %mul3A_27 : i32
      %add3A_29 = arith.constant 0 : i32
      %add3A_30 = arith.addi %mul3A_28, %add3A_29 : i32
      %multiple_of3A_31 = tpu.assume_multiple %add3A_30, 8 : i32
      %dma_start3A = arith.constant 0 : i32
      %dma_start3A_32 = arith.constant 0 : i32
      %dma_start3A_33 = tpu.memref_slice %arg7[%dma_start3A, %dma_start3A_32] : memref<2x4096xf32, #tpu.memory_space<vmem>> -> memref<1x4096xf32, #tpu.memory_space<vmem>>
      %dma_start3A_34 = tpu.memref_squeeze %dma_start3A_33 : memref<1x4096xf32, #tpu.memory_space<vmem>> -> memref<4096xf32, #tpu.memory_space<vmem>>
      %dma_start3A_35 = tpu.memref_slice %arg4[%multiple_of3A_31] : memref<13631488xf32, #tpu.memory_space<hbm>> -> memref<4096xf32, #tpu.memory_space<hbm>>
      %dma_start3A_36 = tpu.memref_slice %arg4[%multiple_of3A_31] : memref<13631488xf32, #tpu.memory_space<hbm>> -> memref<4096xf32, #tpu.memory_space<hbm>>
      %dma_start3A_37 = arith.constant 0 : i32
      %dma_start3A_38 = tpu.memref_slice %arg7[%dma_start3A, %dma_start3A_37] : memref<2x4096xf32, #tpu.memory_space<vmem>> -> memref<1x4096xf32, #tpu.memory_space<vmem>>
      %dma_start3A_39 = tpu.memref_squeeze %dma_start3A_38 : memref<1x4096xf32, #tpu.memory_space<vmem>> -> memref<4096xf32, #tpu.memory_space<vmem>>
      tpu.enqueue_dma source(%dma_start3A_39 : memref<4096xf32, #tpu.memory_space<vmem>>) target(%dma_start3A_36 : memref<4096xf32, #tpu.memory_space<hbm>>) target_semaphore(%arg8 : memref<!tpu.dma_semaphore, #tpu.memory_space<semaphore_mem>>)
      %scan3A_40 = arith.constant 1 : i32
      %scan3A_41 = arith.constant 0 : i32
      %scan3A_42 = arith.constant 32 : i32
      %scan3A_43 = arith.addi %scan3A_41, %scan3A_42 : i32
      %scan3A_44 = arith.constant 1 : i32
      scf.for %scan3A_135 = %scan3A_41 to %scan3A_43 step %scan3A_44  : i32 {
        %mul3A_136 = arith.constant 8 : i32
        %mul3A_137 = arith.muli %scan3A_135, %mul3A_136 : i32
        %mul3A_138 = arith.constant 16 : i32
        %mul3A_139 = arith.muli %mul3A_137, %mul3A_138 : i32
        %add3A_140 = arith.constant 4096 : i32
        %add3A_141 = arith.addi %add3A_140, %mul3A_139 : i32
        %add3A_142 = arith.constant 0 : i32
        %add3A_143 = arith.addi %add3A_141, %add3A_142 : i32
        %get3A = arith.index_cast %add3A_143 : i32 to index
        %get3A_144 = tpu.vector_load %arg6[%get3A] {strides = array<i32>} : memref<16384xi32, #tpu.memory_space<vmem>>, vector<16xi32>,
        %gather3A = tpu.vector_load_idx %arg5[%get3A_144] : memref<100000xf32, #tpu.memory_space<vmem>>[vector<16xi32>], vector<16xf32>,
        %mul3A_145 = arith.constant 8 : i32
        %mul3A_146 = arith.muli %scan3A_135, %mul3A_145 : i32
        %mul3A_147 = arith.constant 16 : i32
        %mul3A_148 = arith.muli %mul3A_146, %mul3A_147 : i32
        %add3A_149 = arith.constant 0 : i32
        %add3A_150 = arith.addi %mul3A_148, %add3A_149 : i32
        %swap3A = arith.constant 0 : i32
        %swap3A_151 = tpu.memref_slice %arg7[%scan3A_40, %swap3A] : memref<2x4096xf32, #tpu.memory_space<vmem>> -> memref<1x4096xf32, #tpu.memory_space<vmem>>
        %swap3A_152 = tpu.memref_squeeze %swap3A_151 : memref<1x4096xf32, #tpu.memory_space<vmem>> -> memref<4096xf32, #tpu.memory_space<vmem>>
        %swap3A_153 = arith.index_cast %add3A_150 : i32 to index
        %swap3A_154 = tpu.vector_load %swap3A_152[%swap3A_153] {strides = array<i32>} : memref<4096xf32, #tpu.memory_space<vmem>>, vector<16xf32>,
        tpu.vector_store %swap3A_152[%swap3A_153], %gather3A {strides = array<i32>} : memref<4096xf32, #tpu.memory_space<vmem>>, vector<16xf32>,
        %mul3A_155 = arith.constant 8 : i32
        %mul3A_156 = arith.muli %scan3A_135, %mul3A_155 : i32
        %mul3A_157 = arith.constant 16 : i32
        %mul3A_158 = arith.muli %mul3A_156, %mul3A_157 : i32
        %add3A_159 = arith.constant 4096 : i32
        %add3A_160 = arith.addi %add3A_159, %mul3A_158 : i32
        %add3A_161 = arith.constant 16 : i32
        %add3A_162 = arith.addi %add3A_160, %add3A_161 : i32
        %get3A_163 = arith.index_cast %add3A_162 : i32 to index
        %get3A_164 = tpu.vector_load %arg6[%get3A_163] {strides = array<i32>} : memref<16384xi32, #tpu.memory_space<vmem>>, vector<16xi32>,
        %gather3A_165 = tpu.vector_load_idx %arg5[%get3A_164] : memref<100000xf32, #tpu.memory_space<vmem>>[vector<16xi32>], vector<16xf32>,
        %mul3A_166 = arith.constant 8 : i32
        %mul3A_167 = arith.muli %scan3A_135, %mul3A_166 : i32
        %mul3A_168 = arith.constant 16 : i32
        %mul3A_169 = arith.muli %mul3A_167, %mul3A_168 : i32
        %add3A_170 = arith.constant 16 : i32
        %add3A_171 = arith.addi %mul3A_169, %add3A_170 : i32
        %swap3A_172 = arith.constant 0 : i32
        %swap3A_173 = tpu.memref_slice %arg7[%scan3A_40, %swap3A_172] : memref<2x4096xf32, #tpu.memory_space<vmem>> -> memref<1x4096xf32, #tpu.memory_space<vmem>>
        %swap3A_174 = tpu.memref_squeeze %swap3A_173 : memref<1x4096xf32, #tpu.memory_space<vmem>> -> memref<4096xf32, #tpu.memory_space<vmem>>
        %swap3A_175 = arith.index_cast %add3A_171 : i32 to index
        %swap3A_176 = tpu.vector_load %swap3A_174[%swap3A_175] {strides = array<i32>} : memref<4096xf32, #tpu.memory_space<vmem>>, vector<16xf32>,
        tpu.vector_store %swap3A_174[%swap3A_175], %gather3A_165 {strides = array<i32>} : memref<4096xf32, #tpu.memory_space<vmem>>, vector<16xf32>,
        %mul3A_177 = arith.constant 8 : i32
        %mul3A_178 = arith.muli %scan3A_135, %mul3A_177 : i32
        %mul3A_179 = arith.constant 16 : i32
        %mul3A_180 = arith.muli %mul3A_178, %mul3A_179 : i32
        %add3A_181 = arith.constant 4096 : i32
        %add3A_182 = arith.addi %add3A_181, %mul3A_180 : i32
        %add3A_183 = arith.constant 32 : i32
        %add3A_184 = arith.addi %add3A_182, %add3A_183 : i32
        %get3A_185 = arith.index_cast %add3A_184 : i32 to index
        %get3A_186 = tpu.vector_load %arg6[%get3A_185] {strides = array<i32>} : memref<16384xi32, #tpu.memory_space<vmem>>, vector<16xi32>,
        %gather3A_187 = tpu.vector_load_idx %arg5[%get3A_186] : memref<100000xf32, #tpu.memory_space<vmem>>[vector<16xi32>], vector<16xf32>,
        %mul3A_188 = arith.constant 8 : i32
        %mul3A_189 = arith.muli %scan3A_135, %mul3A_188 : i32
        %mul3A_190 = arith.constant 16 : i32
        %mul3A_191 = arith.muli %mul3A_189, %mul3A_190 : i32
        %add3A_192 = arith.constant 32 : i32
        %add3A_193 = arith.addi %mul3A_191, %add3A_192 : i32
        %swap3A_194 = arith.constant 0 : i32
        %swap3A_195 = tpu.memref_slice %arg7[%scan3A_40, %swap3A_194] : memref<2x4096xf32, #tpu.memory_space<vmem>> -> memref<1x4096xf32, #tpu.memory_space<vmem>>
        %swap3A_196 = tpu.memref_squeeze %swap3A_195 : memref<1x4096xf32, #tpu.memory_space<vmem>> -> memref<4096xf32, #tpu.memory_space<vmem>>
        %swap3A_197 = arith.index_cast %add3A_193 : i32 to index
        %swap3A_198 = tpu.vector_load %swap3A_196[%swap3A_197] {strides = array<i32>} : memref<4096xf32, #tpu.memory_space<vmem>>, vector<16xf32>,
        tpu.vector_store %swap3A_196[%swap3A_197], %gather3A_187 {strides = array<i32>} : memref<4096xf32, #tpu.memory_space<vmem>>, vector<16xf32>,
        %mul3A_199 = arith.constant 8 : i32
        %mul3A_200 = arith.muli %scan3A_135, %mul3A_199 : i32
        %mul3A_201 = arith.constant 16 : i32
        %mul3A_202 = arith.muli %mul3A_200, %mul3A_201 : i32
        %add3A_203 = arith.constant 4096 : i32
        %add3A_204 = arith.addi %add3A_203, %mul3A_202 : i32
        %add3A_205 = arith.constant 48 : i32
        %add3A_206 = arith.addi %add3A_204, %add3A_205 : i32
        %get3A_207 = arith.index_cast %add3A_206 : i32 to index
        %get3A_208 = tpu.vector_load %arg6[%get3A_207] {strides = array<i32>} : memref<16384xi32, #tpu.memory_space<vmem>>, vector<16xi32>,
        %gather3A_209 = tpu.vector_load_idx %arg5[%get3A_208] : memref<100000xf32, #tpu.memory_space<vmem>>[vector<16xi32>], vector<16xf32>,
        %mul3A_210 = arith.constant 8 : i32
        %mul3A_211 = arith.muli %scan3A_135, %mul3A_210 : i32
        %mul3A_212 = arith.constant 16 : i32
        %mul3A_213 = arith.muli %mul3A_211, %mul3A_212 : i32
        %add3A_214 = arith.constant 48 : i32
        %add3A_215 = arith.addi %mul3A_213, %add3A_214 : i32
        %swap3A_216 = arith.constant 0 : i32
        %swap3A_217 = tpu.memref_slice %arg7[%scan3A_40, %swap3A_216] : memref<2x4096xf32, #tpu.memory_space<vmem>> -> memref<1x4096xf32, #tpu.memory_space<vmem>>
        %swap3A_218 = tpu.memref_squeeze %swap3A_217 : memref<1x4096xf32, #tpu.memory_space<vmem>> -> memref<4096xf32, #tpu.memory_space<vmem>>
        %swap3A_219 = arith.index_cast %add3A_215 : i32 to index
        %swap3A_220 = tpu.vector_load %swap3A_218[%swap3A_219] {strides = array<i32>} : memref<4096xf32, #tpu.memory_space<vmem>>, vector<16xf32>,
        tpu.vector_store %swap3A_218[%swap3A_219], %gather3A_209 {strides = array<i32>} : memref<4096xf32, #tpu.memory_space<vmem>>, vector<16xf32>,
        %mul3A_221 = arith.constant 8 : i32
        %mul3A_222 = arith.muli %scan3A_135, %mul3A_221 : i32
        %mul3A_223 = arith.constant 16 : i32
        %mul3A_224 = arith.muli %mul3A_222, %mul3A_223 : i32
        %add3A_225 = arith.constant 4096 : i32
        %add3A_226 = arith.addi %add3A_225, %mul3A_224 : i32
        %add3A_227 = arith.constant 64 : i32
        %add3A_228 = arith.addi %add3A_226, %add3A_227 : i32
        %get3A_229 = arith.index_cast %add3A_228 : i32 to index
        %get3A_230 = tpu.vector_load %arg6[%get3A_229] {strides = array<i32>} : memref<16384xi32, #tpu.memory_space<vmem>>, vector<16xi32>,
        %gather3A_231 = tpu.vector_load_idx %arg5[%get3A_230] : memref<100000xf32, #tpu.memory_space<vmem>>[vector<16xi32>], vector<16xf32>,
        %mul3A_232 = arith.constant 8 : i32
        %mul3A_233 = arith.muli %scan3A_135, %mul3A_232 : i32
        %mul3A_234 = arith.constant 16 : i32
        %mul3A_235 = arith.muli %mul3A_233, %mul3A_234 : i32
        %add3A_236 = arith.constant 64 : i32
        %add3A_237 = arith.addi %mul3A_235, %add3A_236 : i32
        %swap3A_238 = arith.constant 0 : i32
        %swap3A_239 = tpu.memref_slice %arg7[%scan3A_40, %swap3A_238] : memref<2x4096xf32, #tpu.memory_space<vmem>> -> memref<1x4096xf32, #tpu.memory_space<vmem>>
        %swap3A_240 = tpu.memref_squeeze %swap3A_239 : memref<1x4096xf32, #tpu.memory_space<vmem>> -> memref<4096xf32, #tpu.memory_space<vmem>>
        %swap3A_241 = arith.index_cast %add3A_237 : i32 to index
        %swap3A_242 = tpu.vector_load %swap3A_240[%swap3A_241] {strides = array<i32>} : memref<4096xf32, #tpu.memory_space<vmem>>, vector<16xf32>,
        tpu.vector_store %swap3A_240[%swap3A_241], %gather3A_231 {strides = array<i32>} : memref<4096xf32, #tpu.memory_space<vmem>>, vector<16xf32>,
        %mul3A_243 = arith.constant 8 : i32
        %mul3A_244 = arith.muli %scan3A_135, %mul3A_243 : i32
        %mul3A_245 = arith.constant 16 : i32
        %mul3A_246 = arith.muli %mul3A_244, %mul3A_245 : i32
        %add3A_247 = arith.constant 4096 : i32
        %add3A_248 = arith.addi %add3A_247, %mul3A_246 : i32
        %add3A_249 = arith.constant 80 : i32
        %add3A_250 = arith.addi %add3A_248, %add3A_249 : i32
        %get3A_251 = arith.index_cast %add3A_250 : i32 to index
        %get3A_252 = tpu.vector_load %arg6[%get3A_251] {strides = array<i32>} : memref<16384xi32, #tpu.memory_space<vmem>>, vector<16xi32>,
        %gather3A_253 = tpu.vector_load_idx %arg5[%get3A_252] : memref<100000xf32, #tpu.memory_space<vmem>>[vector<16xi32>], vector<16xf32>,
        %mul3A_254 = arith.constant 8 : i32
        %mul3A_255 = arith.muli %scan3A_135, %mul3A_254 : i32
        %mul3A_256 = arith.constant 16 : i32
        %mul3A_257 = arith.muli %mul3A_255, %mul3A_256 : i32
        %add3A_258 = arith.constant 80 : i32
        %add3A_259 = arith.addi %mul3A_257, %add3A_258 : i32
        %swap3A_260 = arith.constant 0 : i32
        %swap3A_261 = tpu.memref_slice %arg7[%scan3A_40, %swap3A_260] : memref<2x4096xf32, #tpu.memory_space<vmem>> -> memref<1x4096xf32, #tpu.memory_space<vmem>>
        %swap3A_262 = tpu.memref_squeeze %swap3A_261 : memref<1x4096xf32, #tpu.memory_space<vmem>> -> memref<4096xf32, #tpu.memory_space<vmem>>
        %swap3A_263 = arith.index_cast %add3A_259 : i32 to index
        %swap3A_264 = tpu.vector_load %swap3A_262[%swap3A_263] {strides = array<i32>} : memref<4096xf32, #tpu.memory_space<vmem>>, vector<16xf32>,
        tpu.vector_store %swap3A_262[%swap3A_263], %gather3A_253 {strides = array<i32>} : memref<4096xf32, #tpu.memory_space<vmem>>, vector<16xf32>,
        %mul3A_265 = arith.constant 8 : i32
        %mul3A_266 = arith.muli %scan3A_135, %mul3A_265 : i32
        %mul3A_267 = arith.constant 16 : i32
        %mul3A_268 = arith.muli %mul3A_266, %mul3A_267 : i32
        %add3A_269 = arith.constant 4096 : i32
        %add3A_270 = arith.addi %add3A_269, %mul3A_268 : i32
        %add3A_271 = arith.constant 96 : i32
        %add3A_272 = arith.addi %add3A_270, %add3A_271 : i32
        %get3A_273 = arith.index_cast %add3A_272 : i32 to index
        %get3A_274 = tpu.vector_load %arg6[%get3A_273] {strides = array<i32>} : memref<16384xi32, #tpu.memory_space<vmem>>, vector<16xi32>,
        %gather3A_275 = tpu.vector_load_idx %arg5[%get3A_274] : memref<100000xf32, #tpu.memory_space<vmem>>[vector<16xi32>], vector<16xf32>,
        %mul3A_276 = arith.constant 8 : i32
        %mul3A_277 = arith.muli %scan3A_135, %mul3A_276 : i32
        %mul3A_278 = arith.constant 16 : i32
        %mul3A_279 = arith.muli %mul3A_277, %mul3A_278 : i32
        %add3A_280 = arith.constant 96 : i32
        %add3A_281 = arith.addi %mul3A_279, %add3A_280 : i32
        %swap3A_282 = arith.constant 0 : i32
        %swap3A_283 = tpu.memref_slice %arg7[%scan3A_40, %swap3A_282] : memref<2x4096xf32, #tpu.memory_space<vmem>> -> memref<1x4096xf32, #tpu.memory_space<vmem>>
        %swap3A_284 = tpu.memref_squeeze %swap3A_283 : memref<1x4096xf32, #tpu.memory_space<vmem>> -> memref<4096xf32, #tpu.memory_space<vmem>>
        %swap3A_285 = arith.index_cast %add3A_281 : i32 to index
        %swap3A_286 = tpu.vector_load %swap3A_284[%swap3A_285] {strides = array<i32>} : memref<4096xf32, #tpu.memory_space<vmem>>, vector<16xf32>,
        tpu.vector_store %swap3A_284[%swap3A_285], %gather3A_275 {strides = array<i32>} : memref<4096xf32, #tpu.memory_space<vmem>>, vector<16xf32>,
        %mul3A_287 = arith.constant 8 : i32
        %mul3A_288 = arith.muli %scan3A_135, %mul3A_287 : i32
        %mul3A_289 = arith.constant 16 : i32
        %mul3A_290 = arith.muli %mul3A_288, %mul3A_289 : i32
        %add3A_291 = arith.constant 4096 : i32
        %add3A_292 = arith.addi %add3A_291, %mul3A_290 : i32
        %add3A_293 = arith.constant 112 : i32
        %add3A_294 = arith.addi %add3A_292, %add3A_293 : i32
        %get3A_295 = arith.index_cast %add3A_294 : i32 to index
        %get3A_296 = tpu.vector_load %arg6[%get3A_295] {strides = array<i32>} : memref<16384xi32, #tpu.memory_space<vmem>>, vector<16xi32>,
        %gather3A_297 = tpu.vector_load_idx %arg5[%get3A_296] : memref<100000xf32, #tpu.memory_space<vmem>>[vector<16xi32>], vector<16xf32>,
        %mul3A_298 = arith.constant 8 : i32
        %mul3A_299 = arith.muli %scan3A_135, %mul3A_298 : i32
        %mul3A_300 = arith.constant 16 : i32
        %mul3A_301 = arith.muli %mul3A_299, %mul3A_300 : i32
        %add3A_302 = arith.constant 112 : i32
        %add3A_303 = arith.addi %mul3A_301, %add3A_302 : i32
        %swap3A_304 = arith.constant 0 : i32
        %swap3A_305 = tpu.memref_slice %arg7[%scan3A_40, %swap3A_304] : memref<2x4096xf32, #tpu.memory_space<vmem>> -> memref<1x4096xf32, #tpu.memory_space<vmem>>
        %swap3A_306 = tpu.memref_squeeze %swap3A_305 : memref<1x4096xf32, #tpu.memory_space<vmem>> -> memref<4096xf32, #tpu.memory_space<vmem>>
        %swap3A_307 = arith.index_cast %add3A_303 : i32 to index
        %swap3A_308 = tpu.vector_load %swap3A_306[%swap3A_307] {strides = array<i32>} : memref<4096xf32, #tpu.memory_space<vmem>>, vector<16xf32>,
        tpu.vector_store %swap3A_306[%swap3A_307], %gather3A_297 {strides = array<i32>} : memref<4096xf32, #tpu.memory_space<vmem>>, vector<16xf32>,
      }
      %scan3A_45 = arith.constant 32 : i32
      %mul3A_46 = arith.constant 16384 : i32
      %mul3A_47 = arith.muli %add3A_13, %mul3A_46 : i32
      %add3A_48 = arith.constant 4096 : i32
      %add3A_49 = arith.addi %mul3A_47, %add3A_48 : i32
      %multiple_of3A_50 = tpu.assume_multiple %add3A_49, 8 : i32
      %dma_start3A_51 = arith.constant 1 : i32
      %dma_start3A_52 = arith.constant 0 : i32
      %dma_start3A_53 = tpu.memref_slice %arg7[%dma_start3A_51, %dma_start3A_52] : memref<2x4096xf32, #tpu.memory_space<vmem>> -> memref<1x4096xf32, #tpu.memory_space<vmem>>
      %dma_start3A_54 = tpu.memref_squeeze %dma_start3A_53 : memref<1x4096xf32, #tpu.memory_space<vmem>> -> memref<4096xf32, #tpu.memory_space<vmem>>
      %dma_start3A_55 = tpu.memref_slice %arg4[%multiple_of3A_50] : memref<13631488xf32, #tpu.memory_space<hbm>> -> memref<4096xf32, #tpu.memory_space<hbm>>
      %dma_start3A_56 = tpu.memref_slice %arg4[%multiple_of3A_50] : memref<13631488xf32, #tpu.memory_space<hbm>> -> memref<4096xf32, #tpu.memory_space<hbm>>
      %dma_start3A_57 = arith.constant 0 : i32
      %dma_start3A_58 = tpu.memref_slice %arg7[%dma_start3A_51, %dma_start3A_57] : memref<2x4096xf32, #tpu.memory_space<vmem>> -> memref<1x4096xf32, #tpu.memory_space<vmem>>
      %dma_start3A_59 = tpu.memref_squeeze %dma_start3A_58 : memref<1x4096xf32, #tpu.memory_space<vmem>> -> memref<4096xf32, #tpu.memory_space<vmem>>
      tpu.enqueue_dma source(%dma_start3A_59 : memref<4096xf32, #tpu.memory_space<vmem>>) target(%dma_start3A_56 : memref<4096xf32, #tpu.memory_space<hbm>>) target_semaphore(%arg8 : memref<!tpu.dma_semaphore, #tpu.memory_space<semaphore_mem>>)
      %dma_wait3A = arith.constant 0 : i32
      %dma_wait3A_60 = arith.constant 0 : i32
      %dma_wait3A_61 = tpu.memref_slice %arg7[%dma_wait3A, %dma_wait3A_60] : memref<2x4096xf32, #tpu.memory_space<vmem>> -> memref<1x4096xf32, #tpu.memory_space<vmem>>
      %dma_wait3A_62 = tpu.memref_squeeze %dma_wait3A_61 : memref<1x4096xf32, #tpu.memory_space<vmem>> -> memref<4096xf32, #tpu.memory_space<vmem>>
      %dma_wait3A_63 = tpu.memref_slice %arg4[%multiple_of3A_31] : memref<13631488xf32, #tpu.memory_space<hbm>> -> memref<4096xf32, #tpu.memory_space<hbm>>
      %dma_wait3A_64 = tpu.memref_slice %arg4[%multiple_of3A_31] : memref<13631488xf32, #tpu.memory_space<hbm>> -> memref<4096xf32, #tpu.memory_space<hbm>>
      %dma_wait3A_65 = arith.constant 0 : i32
      %dma_wait3A_66 = tpu.memref_slice %arg7[%dma_wait3A, %dma_wait3A_65] : memref<2x4096xf32, #tpu.memory_space<vmem>> -> memref<1x4096xf32, #tpu.memory_space<vmem>>
      %dma_wait3A_67 = tpu.memref_squeeze %dma_wait3A_66 : memref<1x4096xf32, #tpu.memory_space<vmem>> -> memref<4096xf32, #tpu.memory_space<vmem>>
      tpu.wait_dma2 semaphore(%arg8 : memref<!tpu.dma_semaphore, #tpu.memory_space<semaphore_mem>>) src(%dma_wait3A_67 : memref<4096xf32, #tpu.memory_space<vmem>>) dst(%dma_wait3A_64 : memref<4096xf32, #tpu.memory_space<hbm>>)
      %scan3A_68 = arith.constant 0 : i32
      %scan3A_69 = arith.constant 0 : i32
      %scan3A_70 = arith.constant 32 : i32
      %scan3A_71 = arith.addi %scan3A_69, %scan3A_70 : i32
      %scan3A_72 = arith.constant 1 : i32
      scf.for %scan3A_135 = %scan3A_69 to %scan3A_71 step %scan3A_72  : i32 {
        %mul3A_136 = arith.constant 8 : i32
        %mul3A_137 = arith.muli %scan3A_135, %mul3A_136 : i32
        %mul3A_138 = arith.constant 16 : i32
        %mul3A_139 = arith.muli %mul3A_137, %mul3A_138 : i32
        %add3A_140 = arith.constant 8192 : i32
        %add3A_141 = arith.addi %add3A_140, %mul3A_139 : i32
        %add3A_142 = arith.constant 0 : i32
        %add3A_143 = arith.addi %add3A_141, %add3A_142 : i32
        %get3A = arith.index_cast %add3A_143 : i32 to index
        %get3A_144 = tpu.vector_load %arg6[%get3A] {strides = array<i32>} : memref<16384xi32, #tpu.memory_space<vmem>>, vector<16xi32>,
        %gather3A = tpu.vector_load_idx %arg5[%get3A_144] : memref<100000xf32, #tpu.memory_space<vmem>>[vector<16xi32>], vector<16xf32>,
        %mul3A_145 = arith.constant 8 : i32
        %mul3A_146 = arith.muli %scan3A_135, %mul3A_145 : i32
        %mul3A_147 = arith.constant 16 : i32
        %mul3A_148 = arith.muli %mul3A_146, %mul3A_147 : i32
        %add3A_149 = arith.constant 0 : i32
        %add3A_150 = arith.addi %mul3A_148, %add3A_149 : i32
        %swap3A = arith.constant 0 : i32
        %swap3A_151 = tpu.memref_slice %arg7[%scan3A_68, %swap3A] : memref<2x4096xf32, #tpu.memory_space<vmem>> -> memref<1x4096xf32, #tpu.memory_space<vmem>>
        %swap3A_152 = tpu.memref_squeeze %swap3A_151 : memref<1x4096xf32, #tpu.memory_space<vmem>> -> memref<4096xf32, #tpu.memory_space<vmem>>
        %swap3A_153 = arith.index_cast %add3A_150 : i32 to index
        %swap3A_154 = tpu.vector_load %swap3A_152[%swap3A_153] {strides = array<i32>} : memref<4096xf32, #tpu.memory_space<vmem>>, vector<16xf32>,
        tpu.vector_store %swap3A_152[%swap3A_153], %gather3A {strides = array<i32>} : memref<4096xf32, #tpu.memory_space<vmem>>, vector<16xf32>,
        %mul3A_155 = arith.constant 8 : i32
        %mul3A_156 = arith.muli %scan3A_135, %mul3A_155 : i32
        %mul3A_157 = arith.constant 16 : i32
        %mul3A_158 = arith.muli %mul3A_156, %mul3A_157 : i32
        %add3A_159 = arith.constant 8192 : i32
        %add3A_160 = arith.addi %add3A_159, %mul3A_158 : i32
        %add3A_161 = arith.constant 16 : i32
        %add3A_162 = arith.addi %add3A_160, %add3A_161 : i32
        %get3A_163 = arith.index_cast %add3A_162 : i32 to index
        %get3A_164 = tpu.vector_load %arg6[%get3A_163] {strides = array<i32>} : memref<16384xi32, #tpu.memory_space<vmem>>, vector<16xi32>,
        %gather3A_165 = tpu.vector_load_idx %arg5[%get3A_164] : memref<100000xf32, #tpu.memory_space<vmem>>[vector<16xi32>], vector<16xf32>,
        %mul3A_166 = arith.constant 8 : i32
        %mul3A_167 = arith.muli %scan3A_135, %mul3A_166 : i32
        %mul3A_168 = arith.constant 16 : i32
        %mul3A_169 = arith.muli %mul3A_167, %mul3A_168 : i32
        %add3A_170 = arith.constant 16 : i32
        %add3A_171 = arith.addi %mul3A_169, %add3A_170 : i32
        %swap3A_172 = arith.constant 0 : i32
        %swap3A_173 = tpu.memref_slice %arg7[%scan3A_68, %swap3A_172] : memref<2x4096xf32, #tpu.memory_space<vmem>> -> memref<1x4096xf32, #tpu.memory_space<vmem>>
        %swap3A_174 = tpu.memref_squeeze %swap3A_173 : memref<1x4096xf32, #tpu.memory_space<vmem>> -> memref<4096xf32, #tpu.memory_space<vmem>>
        %swap3A_175 = arith.index_cast %add3A_171 : i32 to index
        %swap3A_176 = tpu.vector_load %swap3A_174[%swap3A_175] {strides = array<i32>} : memref<4096xf32, #tpu.memory_space<vmem>>, vector<16xf32>,
        tpu.vector_store %swap3A_174[%swap3A_175], %gather3A_165 {strides = array<i32>} : memref<4096xf32, #tpu.memory_space<vmem>>, vector<16xf32>,
        %mul3A_177 = arith.constant 8 : i32
        %mul3A_178 = arith.muli %scan3A_135, %mul3A_177 : i32
        %mul3A_179 = arith.constant 16 : i32
        %mul3A_180 = arith.muli %mul3A_178, %mul3A_179 : i32
        %add3A_181 = arith.constant 8192 : i32
        %add3A_182 = arith.addi %add3A_181, %mul3A_180 : i32
        %add3A_183 = arith.constant 32 : i32
        %add3A_184 = arith.addi %add3A_182, %add3A_183 : i32
        %get3A_185 = arith.index_cast %add3A_184 : i32 to index
        %get3A_186 = tpu.vector_load %arg6[%get3A_185] {strides = array<i32>} : memref<16384xi32, #tpu.memory_space<vmem>>, vector<16xi32>,
        %gather3A_187 = tpu.vector_load_idx %arg5[%get3A_186] : memref<100000xf32, #tpu.memory_space<vmem>>[vector<16xi32>], vector<16xf32>,
        %mul3A_188 = arith.constant 8 : i32
        %mul3A_189 = arith.muli %scan3A_135, %mul3A_188 : i32
        %mul3A_190 = arith.constant 16 : i32
        %mul3A_191 = arith.muli %mul3A_189, %mul3A_190 : i32
        %add3A_192 = arith.constant 32 : i32
        %add3A_193 = arith.addi %mul3A_191, %add3A_192 : i32
        %swap3A_194 = arith.constant 0 : i32
        %swap3A_195 = tpu.memref_slice %arg7[%scan3A_68, %swap3A_194] : memref<2x4096xf32, #tpu.memory_space<vmem>> -> memref<1x4096xf32, #tpu.memory_space<vmem>>
        %swap3A_196 = tpu.memref_squeeze %swap3A_195 : memref<1x4096xf32, #tpu.memory_space<vmem>> -> memref<4096xf32, #tpu.memory_space<vmem>>
        %swap3A_197 = arith.index_cast %add3A_193 : i32 to index
        %swap3A_198 = tpu.vector_load %swap3A_196[%swap3A_197] {strides = array<i32>} : memref<4096xf32, #tpu.memory_space<vmem>>, vector<16xf32>,
        tpu.vector_store %swap3A_196[%swap3A_197], %gather3A_187 {strides = array<i32>} : memref<4096xf32, #tpu.memory_space<vmem>>, vector<16xf32>,
        %mul3A_199 = arith.constant 8 : i32
        %mul3A_200 = arith.muli %scan3A_135, %mul3A_199 : i32
        %mul3A_201 = arith.constant 16 : i32
        %mul3A_202 = arith.muli %mul3A_200, %mul3A_201 : i32
        %add3A_203 = arith.constant 8192 : i32
        %add3A_204 = arith.addi %add3A_203, %mul3A_202 : i32
        %add3A_205 = arith.constant 48 : i32
        %add3A_206 = arith.addi %add3A_204, %add3A_205 : i32
        %get3A_207 = arith.index_cast %add3A_206 : i32 to index
        %get3A_208 = tpu.vector_load %arg6[%get3A_207] {strides = array<i32>} : memref<16384xi32, #tpu.memory_space<vmem>>, vector<16xi32>,
        %gather3A_209 = tpu.vector_load_idx %arg5[%get3A_208] : memref<100000xf32, #tpu.memory_space<vmem>>[vector<16xi32>], vector<16xf32>,
        %mul3A_210 = arith.constant 8 : i32
        %mul3A_211 = arith.muli %scan3A_135, %mul3A_210 : i32
        %mul3A_212 = arith.constant 16 : i32
        %mul3A_213 = arith.muli %mul3A_211, %mul3A_212 : i32
        %add3A_214 = arith.constant 48 : i32
        %add3A_215 = arith.addi %mul3A_213, %add3A_214 : i32
        %swap3A_216 = arith.constant 0 : i32
        %swap3A_217 = tpu.memref_slice %arg7[%scan3A_68, %swap3A_216] : memref<2x4096xf32, #tpu.memory_space<vmem>> -> memref<1x4096xf32, #tpu.memory_space<vmem>>
        %swap3A_218 = tpu.memref_squeeze %swap3A_217 : memref<1x4096xf32, #tpu.memory_space<vmem>> -> memref<4096xf32, #tpu.memory_space<vmem>>
        %swap3A_219 = arith.index_cast %add3A_215 : i32 to index
        %swap3A_220 = tpu.vector_load %swap3A_218[%swap3A_219] {strides = array<i32>} : memref<4096xf32, #tpu.memory_space<vmem>>, vector<16xf32>,
        tpu.vector_store %swap3A_218[%swap3A_219], %gather3A_209 {strides = array<i32>} : memref<4096xf32, #tpu.memory_space<vmem>>, vector<16xf32>,
        %mul3A_221 = arith.constant 8 : i32
        %mul3A_222 = arith.muli %scan3A_135, %mul3A_221 : i32
        %mul3A_223 = arith.constant 16 : i32
        %mul3A_224 = arith.muli %mul3A_222, %mul3A_223 : i32
        %add3A_225 = arith.constant 8192 : i32
        %add3A_226 = arith.addi %add3A_225, %mul3A_224 : i32
        %add3A_227 = arith.constant 64 : i32
        %add3A_228 = arith.addi %add3A_226, %add3A_227 : i32
        %get3A_229 = arith.index_cast %add3A_228 : i32 to index
        %get3A_230 = tpu.vector_load %arg6[%get3A_229] {strides = array<i32>} : memref<16384xi32, #tpu.memory_space<vmem>>, vector<16xi32>,
        %gather3A_231 = tpu.vector_load_idx %arg5[%get3A_230] : memref<100000xf32, #tpu.memory_space<vmem>>[vector<16xi32>], vector<16xf32>,
        %mul3A_232 = arith.constant 8 : i32
        %mul3A_233 = arith.muli %scan3A_135, %mul3A_232 : i32
        %mul3A_234 = arith.constant 16 : i32
        %mul3A_235 = arith.muli %mul3A_233, %mul3A_234 : i32
        %add3A_236 = arith.constant 64 : i32
        %add3A_237 = arith.addi %mul3A_235, %add3A_236 : i32
        %swap3A_238 = arith.constant 0 : i32
        %swap3A_239 = tpu.memref_slice %arg7[%scan3A_68, %swap3A_238] : memref<2x4096xf32, #tpu.memory_space<vmem>> -> memref<1x4096xf32, #tpu.memory_space<vmem>>
        %swap3A_240 = tpu.memref_squeeze %swap3A_239 : memref<1x4096xf32, #tpu.memory_space<vmem>> -> memref<4096xf32, #tpu.memory_space<vmem>>
        %swap3A_241 = arith.index_cast %add3A_237 : i32 to index
        %swap3A_242 = tpu.vector_load %swap3A_240[%swap3A_241] {strides = array<i32>} : memref<4096xf32, #tpu.memory_space<vmem>>, vector<16xf32>,
        tpu.vector_store %swap3A_240[%swap3A_241], %gather3A_231 {strides = array<i32>} : memref<4096xf32, #tpu.memory_space<vmem>>, vector<16xf32>,
        %mul3A_243 = arith.constant 8 : i32
        %mul3A_244 = arith.muli %scan3A_135, %mul3A_243 : i32
        %mul3A_245 = arith.constant 16 : i32
        %mul3A_246 = arith.muli %mul3A_244, %mul3A_245 : i32
        %add3A_247 = arith.constant 8192 : i32
        %add3A_248 = arith.addi %add3A_247, %mul3A_246 : i32
        %add3A_249 = arith.constant 80 : i32
        %add3A_250 = arith.addi %add3A_248, %add3A_249 : i32
        %get3A_251 = arith.index_cast %add3A_250 : i32 to index
        %get3A_252 = tpu.vector_load %arg6[%get3A_251] {strides = array<i32>} : memref<16384xi32, #tpu.memory_space<vmem>>, vector<16xi32>,
        %gather3A_253 = tpu.vector_load_idx %arg5[%get3A_252] : memref<100000xf32, #tpu.memory_space<vmem>>[vector<16xi32>], vector<16xf32>,
        %mul3A_254 = arith.constant 8 : i32
        %mul3A_255 = arith.muli %scan3A_135, %mul3A_254 : i32
        %mul3A_256 = arith.constant 16 : i32
        %mul3A_257 = arith.muli %mul3A_255, %mul3A_256 : i32
        %add3A_258 = arith.constant 80 : i32
        %add3A_259 = arith.addi %mul3A_257, %add3A_258 : i32
        %swap3A_260 = arith.constant 0 : i32
        %swap3A_261 = tpu.memref_slice %arg7[%scan3A_68, %swap3A_260] : memref<2x4096xf32, #tpu.memory_space<vmem>> -> memref<1x4096xf32, #tpu.memory_space<vmem>>
        %swap3A_262 = tpu.memref_squeeze %swap3A_261 : memref<1x4096xf32, #tpu.memory_space<vmem>> -> memref<4096xf32, #tpu.memory_space<vmem>>
        %swap3A_263 = arith.index_cast %add3A_259 : i32 to index
        %swap3A_264 = tpu.vector_load %swap3A_262[%swap3A_263] {strides = array<i32>} : memref<4096xf32, #tpu.memory_space<vmem>>, vector<16xf32>,
        tpu.vector_store %swap3A_262[%swap3A_263], %gather3A_253 {strides = array<i32>} : memref<4096xf32, #tpu.memory_space<vmem>>, vector<16xf32>,
        %mul3A_265 = arith.constant 8 : i32
        %mul3A_266 = arith.muli %scan3A_135, %mul3A_265 : i32
        %mul3A_267 = arith.constant 16 : i32
        %mul3A_268 = arith.muli %mul3A_266, %mul3A_267 : i32
        %add3A_269 = arith.constant 8192 : i32
        %add3A_270 = arith.addi %add3A_269, %mul3A_268 : i32
        %add3A_271 = arith.constant 96 : i32
        %add3A_272 = arith.addi %add3A_270, %add3A_271 : i32
        %get3A_273 = arith.index_cast %add3A_272 : i32 to index
        %get3A_274 = tpu.vector_load %arg6[%get3A_273] {strides = array<i32>} : memref<16384xi32, #tpu.memory_space<vmem>>, vector<16xi32>,
        %gather3A_275 = tpu.vector_load_idx %arg5[%get3A_274] : memref<100000xf32, #tpu.memory_space<vmem>>[vector<16xi32>], vector<16xf32>,
        %mul3A_276 = arith.constant 8 : i32
        %mul3A_277 = arith.muli %scan3A_135, %mul3A_276 : i32
        %mul3A_278 = arith.constant 16 : i32
        %mul3A_279 = arith.muli %mul3A_277, %mul3A_278 : i32
        %add3A_280 = arith.constant 96 : i32
        %add3A_281 = arith.addi %mul3A_279, %add3A_280 : i32
        %swap3A_282 = arith.constant 0 : i32
        %swap3A_283 = tpu.memref_slice %arg7[%scan3A_68, %swap3A_282] : memref<2x4096xf32, #tpu.memory_space<vmem>> -> memref<1x4096xf32, #tpu.memory_space<vmem>>
        %swap3A_284 = tpu.memref_squeeze %swap3A_283 : memref<1x4096xf32, #tpu.memory_space<vmem>> -> memref<4096xf32, #tpu.memory_space<vmem>>
        %swap3A_285 = arith.index_cast %add3A_281 : i32 to index
        %swap3A_286 = tpu.vector_load %swap3A_284[%swap3A_285] {strides = array<i32>} : memref<4096xf32, #tpu.memory_space<vmem>>, vector<16xf32>,
        tpu.vector_store %swap3A_284[%swap3A_285], %gather3A_275 {strides = array<i32>} : memref<4096xf32, #tpu.memory_space<vmem>>, vector<16xf32>,
        %mul3A_287 = arith.constant 8 : i32
        %mul3A_288 = arith.muli %scan3A_135, %mul3A_287 : i32
        %mul3A_289 = arith.constant 16 : i32
        %mul3A_290 = arith.muli %mul3A_288, %mul3A_289 : i32
        %add3A_291 = arith.constant 8192 : i32
        %add3A_292 = arith.addi %add3A_291, %mul3A_290 : i32
        %add3A_293 = arith.constant 112 : i32
        %add3A_294 = arith.addi %add3A_292, %add3A_293 : i32
        %get3A_295 = arith.index_cast %add3A_294 : i32 to index
        %get3A_296 = tpu.vector_load %arg6[%get3A_295] {strides = array<i32>} : memref<16384xi32, #tpu.memory_space<vmem>>, vector<16xi32>,
        %gather3A_297 = tpu.vector_load_idx %arg5[%get3A_296] : memref<100000xf32, #tpu.memory_space<vmem>>[vector<16xi32>], vector<16xf32>,
        %mul3A_298 = arith.constant 8 : i32
        %mul3A_299 = arith.muli %scan3A_135, %mul3A_298 : i32
        %mul3A_300 = arith.constant 16 : i32
        %mul3A_301 = arith.muli %mul3A_299, %mul3A_300 : i32
        %add3A_302 = arith.constant 112 : i32
        %add3A_303 = arith.addi %mul3A_301, %add3A_302 : i32
        %swap3A_304 = arith.constant 0 : i32
        %swap3A_305 = tpu.memref_slice %arg7[%scan3A_68, %swap3A_304] : memref<2x4096xf32, #tpu.memory_space<vmem>> -> memref<1x4096xf32, #tpu.memory_space<vmem>>
        %swap3A_306 = tpu.memref_squeeze %swap3A_305 : memref<1x4096xf32, #tpu.memory_space<vmem>> -> memref<4096xf32, #tpu.memory_space<vmem>>
        %swap3A_307 = arith.index_cast %add3A_303 : i32 to index
        %swap3A_308 = tpu.vector_load %swap3A_306[%swap3A_307] {strides = array<i32>} : memref<4096xf32, #tpu.memory_space<vmem>>, vector<16xf32>,
        tpu.vector_store %swap3A_306[%swap3A_307], %gather3A_297 {strides = array<i32>} : memref<4096xf32, #tpu.memory_space<vmem>>, vector<16xf32>,
      }
      %scan3A_73 = arith.constant 32 : i32
      %mul3A_74 = arith.constant 16384 : i32
      %mul3A_75 = arith.muli %add3A_13, %mul3A_74 : i32
      %add3A_76 = arith.constant 8192 : i32
      %add3A_77 = arith.addi %mul3A_75, %add3A_76 : i32
      %multiple_of3A_78 = tpu.assume_multiple %add3A_77, 8 : i32
      %dma_start3A_79 = arith.constant 0 : i32
      %dma_start3A_80 = arith.constant 0 : i32
      %dma_start3A_81 = tpu.memref_slice %arg7[%dma_start3A_79, %dma_start3A_80] : memref<2x4096xf32, #tpu.memory_space<vmem>> -> memref<1x4096xf32, #tpu.memory_space<vmem>>
      %dma_start3A_82 = tpu.memref_squeeze %dma_start3A_81 : memref<1x4096xf32, #tpu.memory_space<vmem>> -> memref<4096xf32, #tpu.memory_space<vmem>>
      %dma_start3A_83 = tpu.memref_slice %arg4[%multiple_of3A_78] : memref<13631488xf32, #tpu.memory_space<hbm>> -> memref<4096xf32, #tpu.memory_space<hbm>>
      %dma_start3A_84 = tpu.memref_slice %arg4[%multiple_of3A_78] : memref<13631488xf32, #tpu.memory_space<hbm>> -> memref<4096xf32, #tpu.memory_space<hbm>>
      %dma_start3A_85 = arith.constant 0 : i32
      %dma_start3A_86 = tpu.memref_slice %arg7[%dma_start3A_79, %dma_start3A_85] : memref<2x4096xf32, #tpu.memory_space<vmem>> -> memref<1x4096xf32, #tpu.memory_space<vmem>>
      %dma_start3A_87 = tpu.memref_squeeze %dma_start3A_86 : memref<1x4096xf32, #tpu.memory_space<vmem>> -> memref<4096xf32, #tpu.memory_space<vmem>>
      tpu.enqueue_dma source(%dma_start3A_87 : memref<4096xf32, #tpu.memory_space<vmem>>) target(%dma_start3A_84 : memref<4096xf32, #tpu.memory_space<hbm>>) target_semaphore(%arg8 : memref<!tpu.dma_semaphore, #tpu.memory_space<semaphore_mem>>)
      %dma_wait3A_88 = arith.constant 1 : i32
      %dma_wait3A_89 = arith.constant 0 : i32
      %dma_wait3A_90 = tpu.memref_slice %arg7[%dma_wait3A_88, %dma_wait3A_89] : memref<2x4096xf32, #tpu.memory_space<vmem>> -> memref<1x4096xf32, #tpu.memory_space<vmem>>
      %dma_wait3A_91 = tpu.memref_squeeze %dma_wait3A_90 : memref<1x4096xf32, #tpu.memory_space<vmem>> -> memref<4096xf32, #tpu.memory_space<vmem>>
      %dma_wait3A_92 = tpu.memref_slice %arg4[%multiple_of3A_50] : memref<13631488xf32, #tpu.memory_space<hbm>> -> memref<4096xf32, #tpu.memory_space<hbm>>
      %dma_wait3A_93 = tpu.memref_slice %arg4[%multiple_of3A_50] : memref<13631488xf32, #tpu.memory_space<hbm>> -> memref<4096xf32, #tpu.memory_space<hbm>>
      %dma_wait3A_94 = arith.constant 0 : i32
      %dma_wait3A_95 = tpu.memref_slice %arg7[%dma_wait3A_88, %dma_wait3A_94] : memref<2x4096xf32, #tpu.memory_space<vmem>> -> memref<1x4096xf32, #tpu.memory_space<vmem>>
      %dma_wait3A_96 = tpu.memref_squeeze %dma_wait3A_95 : memref<1x4096xf32, #tpu.memory_space<vmem>> -> memref<4096xf32, #tpu.memory_space<vmem>>
      tpu.wait_dma2 semaphore(%arg8 : memref<!tpu.dma_semaphore, #tpu.memory_space<semaphore_mem>>) src(%dma_wait3A_96 : memref<4096xf32, #tpu.memory_space<vmem>>) dst(%dma_wait3A_93 : memref<4096xf32, #tpu.memory_space<hbm>>)
      %scan3A_97 = arith.constant 1 : i32
      %scan3A_98 = arith.constant 0 : i32
      %scan3A_99 = arith.constant 32 : i32
      %scan3A_100 = arith.addi %scan3A_98, %scan3A_99 : i32
      %scan3A_101 = arith.constant 1 : i32
      scf.for %scan3A_135 = %scan3A_98 to %scan3A_100 step %scan3A_101  : i32 {
        %mul3A_136 = arith.constant 8 : i32
        %mul3A_137 = arith.muli %scan3A_135, %mul3A_136 : i32
        %mul3A_138 = arith.constant 16 : i32
        %mul3A_139 = arith.muli %mul3A_137, %mul3A_138 : i32
        %add3A_140 = arith.constant 12288 : i32
        %add3A_141 = arith.addi %add3A_140, %mul3A_139 : i32
        %add3A_142 = arith.constant 0 : i32
        %add3A_143 = arith.addi %add3A_141, %add3A_142 : i32
        %get3A = arith.index_cast %add3A_143 : i32 to index
        %get3A_144 = tpu.vector_load %arg6[%get3A] {strides = array<i32>} : memref<16384xi32, #tpu.memory_space<vmem>>, vector<16xi32>,
        %gather3A = tpu.vector_load_idx %arg5[%get3A_144] : memref<100000xf32, #tpu.memory_space<vmem>>[vector<16xi32>], vector<16xf32>,
        %mul3A_145 = arith.constant 8 : i32
        %mul3A_146 = arith.muli %scan3A_135, %mul3A_145 : i32
        %mul3A_147 = arith.constant 16 : i32
        %mul3A_148 = arith.muli %mul3A_146, %mul3A_147 : i32
        %add3A_149 = arith.constant 0 : i32
        %add3A_150 = arith.addi %mul3A_148, %add3A_149 : i32
        %swap3A = arith.constant 0 : i32
        %swap3A_151 = tpu.memref_slice %arg7[%scan3A_97, %swap3A] : memref<2x4096xf32, #tpu.memory_space<vmem>> -> memref<1x4096xf32, #tpu.memory_space<vmem>>
        %swap3A_152 = tpu.memref_squeeze %swap3A_151 : memref<1x4096xf32, #tpu.memory_space<vmem>> -> memref<4096xf32, #tpu.memory_space<vmem>>
        %swap3A_153 = arith.index_cast %add3A_150 : i32 to index
        %swap3A_154 = tpu.vector_load %swap3A_152[%swap3A_153] {strides = array<i32>} : memref<4096xf32, #tpu.memory_space<vmem>>, vector<16xf32>,
        tpu.vector_store %swap3A_152[%swap3A_153], %gather3A {strides = array<i32>} : memref<4096xf32, #tpu.memory_space<vmem>>, vector<16xf32>,
        %mul3A_155 = arith.constant 8 : i32
        %mul3A_156 = arith.muli %scan3A_135, %mul3A_155 : i32
        %mul3A_157 = arith.constant 16 : i32
        %mul3A_158 = arith.muli %mul3A_156, %mul3A_157 : i32
        %add3A_159 = arith.constant 12288 : i32
        %add3A_160 = arith.addi %add3A_159, %mul3A_158 : i32
        %add3A_161 = arith.constant 16 : i32
        %add3A_162 = arith.addi %add3A_160, %add3A_161 : i32
        %get3A_163 = arith.index_cast %add3A_162 : i32 to index
        %get3A_164 = tpu.vector_load %arg6[%get3A_163] {strides = array<i32>} : memref<16384xi32, #tpu.memory_space<vmem>>, vector<16xi32>,
        %gather3A_165 = tpu.vector_load_idx %arg5[%get3A_164] : memref<100000xf32, #tpu.memory_space<vmem>>[vector<16xi32>], vector<16xf32>,
        %mul3A_166 = arith.constant 8 : i32
        %mul3A_167 = arith.muli %scan3A_135, %mul3A_166 : i32
        %mul3A_168 = arith.constant 16 : i32
        %mul3A_169 = arith.muli %mul3A_167, %mul3A_168 : i32
        %add3A_170 = arith.constant 16 : i32
        %add3A_171 = arith.addi %mul3A_169, %add3A_170 : i32
        %swap3A_172 = arith.constant 0 : i32
        %swap3A_173 = tpu.memref_slice %arg7[%scan3A_97, %swap3A_172] : memref<2x4096xf32, #tpu.memory_space<vmem>> -> memref<1x4096xf32, #tpu.memory_space<vmem>>
        %swap3A_174 = tpu.memref_squeeze %swap3A_173 : memref<1x4096xf32, #tpu.memory_space<vmem>> -> memref<4096xf32, #tpu.memory_space<vmem>>
        %swap3A_175 = arith.index_cast %add3A_171 : i32 to index
        %swap3A_176 = tpu.vector_load %swap3A_174[%swap3A_175] {strides = array<i32>} : memref<4096xf32, #tpu.memory_space<vmem>>, vector<16xf32>,
        tpu.vector_store %swap3A_174[%swap3A_175], %gather3A_165 {strides = array<i32>} : memref<4096xf32, #tpu.memory_space<vmem>>, vector<16xf32>,
        %mul3A_177 = arith.constant 8 : i32
        %mul3A_178 = arith.muli %scan3A_135, %mul3A_177 : i32
        %mul3A_179 = arith.constant 16 : i32
        %mul3A_180 = arith.muli %mul3A_178, %mul3A_179 : i32
        %add3A_181 = arith.constant 12288 : i32
        %add3A_182 = arith.addi %add3A_181, %mul3A_180 : i32
        %add3A_183 = arith.constant 32 : i32
        %add3A_184 = arith.addi %add3A_182, %add3A_183 : i32
        %get3A_185 = arith.index_cast %add3A_184 : i32 to index
        %get3A_186 = tpu.vector_load %arg6[%get3A_185] {strides = array<i32>} : memref<16384xi32, #tpu.memory_space<vmem>>, vector<16xi32>,
        %gather3A_187 = tpu.vector_load_idx %arg5[%get3A_186] : memref<100000xf32, #tpu.memory_space<vmem>>[vector<16xi32>], vector<16xf32>,
        %mul3A_188 = arith.constant 8 : i32
        %mul3A_189 = arith.muli %scan3A_135, %mul3A_188 : i32
        %mul3A_190 = arith.constant 16 : i32
        %mul3A_191 = arith.muli %mul3A_189, %mul3A_190 : i32
        %add3A_192 = arith.constant 32 : i32
        %add3A_193 = arith.addi %mul3A_191, %add3A_192 : i32
        %swap3A_194 = arith.constant 0 : i32
        %swap3A_195 = tpu.memref_slice %arg7[%scan3A_97, %swap3A_194] : memref<2x4096xf32, #tpu.memory_space<vmem>> -> memref<1x4096xf32, #tpu.memory_space<vmem>>
        %swap3A_196 = tpu.memref_squeeze %swap3A_195 : memref<1x4096xf32, #tpu.memory_space<vmem>> -> memref<4096xf32, #tpu.memory_space<vmem>>
        %swap3A_197 = arith.index_cast %add3A_193 : i32 to index
        %swap3A_198 = tpu.vector_load %swap3A_196[%swap3A_197] {strides = array<i32>} : memref<4096xf32, #tpu.memory_space<vmem>>, vector<16xf32>,
        tpu.vector_store %swap3A_196[%swap3A_197], %gather3A_187 {strides = array<i32>} : memref<4096xf32, #tpu.memory_space<vmem>>, vector<16xf32>,
        %mul3A_199 = arith.constant 8 : i32
        %mul3A_200 = arith.muli %scan3A_135, %mul3A_199 : i32
        %mul3A_201 = arith.constant 16 : i32
        %mul3A_202 = arith.muli %mul3A_200, %mul3A_201 : i32
        %add3A_203 = arith.constant 12288 : i32
        %add3A_204 = arith.addi %add3A_203, %mul3A_202 : i32
        %add3A_205 = arith.constant 48 : i32
        %add3A_206 = arith.addi %add3A_204, %add3A_205 : i32
        %get3A_207 = arith.index_cast %add3A_206 : i32 to index
        %get3A_208 = tpu.vector_load %arg6[%get3A_207] {strides = array<i32>} : memref<16384xi32, #tpu.memory_space<vmem>>, vector<16xi32>,
        %gather3A_209 = tpu.vector_load_idx %arg5[%get3A_208] : memref<100000xf32, #tpu.memory_space<vmem>>[vector<16xi32>], vector<16xf32>,
        %mul3A_210 = arith.constant 8 : i32
        %mul3A_211 = arith.muli %scan3A_135, %mul3A_210 : i32
        %mul3A_212 = arith.constant 16 : i32
        %mul3A_213 = arith.muli %mul3A_211, %mul3A_212 : i32
        %add3A_214 = arith.constant 48 : i32
        %add3A_215 = arith.addi %mul3A_213, %add3A_214 : i32
        %swap3A_216 = arith.constant 0 : i32
        %swap3A_217 = tpu.memref_slice %arg7[%scan3A_97, %swap3A_216] : memref<2x4096xf32, #tpu.memory_space<vmem>> -> memref<1x4096xf32, #tpu.memory_space<vmem>>
        %swap3A_218 = tpu.memref_squeeze %swap3A_217 : memref<1x4096xf32, #tpu.memory_space<vmem>> -> memref<4096xf32, #tpu.memory_space<vmem>>
        %swap3A_219 = arith.index_cast %add3A_215 : i32 to index
        %swap3A_220 = tpu.vector_load %swap3A_218[%swap3A_219] {strides = array<i32>} : memref<4096xf32, #tpu.memory_space<vmem>>, vector<16xf32>,
        tpu.vector_store %swap3A_218[%swap3A_219], %gather3A_209 {strides = array<i32>} : memref<4096xf32, #tpu.memory_space<vmem>>, vector<16xf32>,
        %mul3A_221 = arith.constant 8 : i32
        %mul3A_222 = arith.muli %scan3A_135, %mul3A_221 : i32
        %mul3A_223 = arith.constant 16 : i32
        %mul3A_224 = arith.muli %mul3A_222, %mul3A_223 : i32
        %add3A_225 = arith.constant 12288 : i32
        %add3A_226 = arith.addi %add3A_225, %mul3A_224 : i32
        %add3A_227 = arith.constant 64 : i32
        %add3A_228 = arith.addi %add3A_226, %add3A_227 : i32
        %get3A_229 = arith.index_cast %add3A_228 : i32 to index
        %get3A_230 = tpu.vector_load %arg6[%get3A_229] {strides = array<i32>} : memref<16384xi32, #tpu.memory_space<vmem>>, vector<16xi32>,
        %gather3A_231 = tpu.vector_load_idx %arg5[%get3A_230] : memref<100000xf32, #tpu.memory_space<vmem>>[vector<16xi32>], vector<16xf32>,
        %mul3A_232 = arith.constant 8 : i32
        %mul3A_233 = arith.muli %scan3A_135, %mul3A_232 : i32
        %mul3A_234 = arith.constant 16 : i32
        %mul3A_235 = arith.muli %mul3A_233, %mul3A_234 : i32
        %add3A_236 = arith.constant 64 : i32
        %add3A_237 = arith.addi %mul3A_235, %add3A_236 : i32
        %swap3A_238 = arith.constant 0 : i32
        %swap3A_239 = tpu.memref_slice %arg7[%scan3A_97, %swap3A_238] : memref<2x4096xf32, #tpu.memory_space<vmem>> -> memref<1x4096xf32, #tpu.memory_space<vmem>>
        %swap3A_240 = tpu.memref_squeeze %swap3A_239 : memref<1x4096xf32, #tpu.memory_space<vmem>> -> memref<4096xf32, #tpu.memory_space<vmem>>
        %swap3A_241 = arith.index_cast %add3A_237 : i32 to index
        %swap3A_242 = tpu.vector_load %swap3A_240[%swap3A_241] {strides = array<i32>} : memref<4096xf32, #tpu.memory_space<vmem>>, vector<16xf32>,
        tpu.vector_store %swap3A_240[%swap3A_241], %gather3A_231 {strides = array<i32>} : memref<4096xf32, #tpu.memory_space<vmem>>, vector<16xf32>,
        %mul3A_243 = arith.constant 8 : i32
        %mul3A_244 = arith.muli %scan3A_135, %mul3A_243 : i32
        %mul3A_245 = arith.constant 16 : i32
        %mul3A_246 = arith.muli %mul3A_244, %mul3A_245 : i32
        %add3A_247 = arith.constant 12288 : i32
        %add3A_248 = arith.addi %add3A_247, %mul3A_246 : i32
        %add3A_249 = arith.constant 80 : i32
        %add3A_250 = arith.addi %add3A_248, %add3A_249 : i32
        %get3A_251 = arith.index_cast %add3A_250 : i32 to index
        %get3A_252 = tpu.vector_load %arg6[%get3A_251] {strides = array<i32>} : memref<16384xi32, #tpu.memory_space<vmem>>, vector<16xi32>,
        %gather3A_253 = tpu.vector_load_idx %arg5[%get3A_252] : memref<100000xf32, #tpu.memory_space<vmem>>[vector<16xi32>], vector<16xf32>,
        %mul3A_254 = arith.constant 8 : i32
        %mul3A_255 = arith.muli %scan3A_135, %mul3A_254 : i32
        %mul3A_256 = arith.constant 16 : i32
        %mul3A_257 = arith.muli %mul3A_255, %mul3A_256 : i32
        %add3A_258 = arith.constant 80 : i32
        %add3A_259 = arith.addi %mul3A_257, %add3A_258 : i32
        %swap3A_260 = arith.constant 0 : i32
        %swap3A_261 = tpu.memref_slice %arg7[%scan3A_97, %swap3A_260] : memref<2x4096xf32, #tpu.memory_space<vmem>> -> memref<1x4096xf32, #tpu.memory_space<vmem>>
        %swap3A_262 = tpu.memref_squeeze %swap3A_261 : memref<1x4096xf32, #tpu.memory_space<vmem>> -> memref<4096xf32, #tpu.memory_space<vmem>>
        %swap3A_263 = arith.index_cast %add3A_259 : i32 to index
        %swap3A_264 = tpu.vector_load %swap3A_262[%swap3A_263] {strides = array<i32>} : memref<4096xf32, #tpu.memory_space<vmem>>, vector<16xf32>,
        tpu.vector_store %swap3A_262[%swap3A_263], %gather3A_253 {strides = array<i32>} : memref<4096xf32, #tpu.memory_space<vmem>>, vector<16xf32>,
        %mul3A_265 = arith.constant 8 : i32
        %mul3A_266 = arith.muli %scan3A_135, %mul3A_265 : i32
        %mul3A_267 = arith.constant 16 : i32
        %mul3A_268 = arith.muli %mul3A_266, %mul3A_267 : i32
        %add3A_269 = arith.constant 12288 : i32
        %add3A_270 = arith.addi %add3A_269, %mul3A_268 : i32
        %add3A_271 = arith.constant 96 : i32
        %add3A_272 = arith.addi %add3A_270, %add3A_271 : i32
        %get3A_273 = arith.index_cast %add3A_272 : i32 to index
        %get3A_274 = tpu.vector_load %arg6[%get3A_273] {strides = array<i32>} : memref<16384xi32, #tpu.memory_space<vmem>>, vector<16xi32>,
        %gather3A_275 = tpu.vector_load_idx %arg5[%get3A_274] : memref<100000xf32, #tpu.memory_space<vmem>>[vector<16xi32>], vector<16xf32>,
        %mul3A_276 = arith.constant 8 : i32
        %mul3A_277 = arith.muli %scan3A_135, %mul3A_276 : i32
        %mul3A_278 = arith.constant 16 : i32
        %mul3A_279 = arith.muli %mul3A_277, %mul3A_278 : i32
        %add3A_280 = arith.constant 96 : i32
        %add3A_281 = arith.addi %mul3A_279, %add3A_280 : i32
        %swap3A_282 = arith.constant 0 : i32
        %swap3A_283 = tpu.memref_slice %arg7[%scan3A_97, %swap3A_282] : memref<2x4096xf32, #tpu.memory_space<vmem>> -> memref<1x4096xf32, #tpu.memory_space<vmem>>
        %swap3A_284 = tpu.memref_squeeze %swap3A_283 : memref<1x4096xf32, #tpu.memory_space<vmem>> -> memref<4096xf32, #tpu.memory_space<vmem>>
        %swap3A_285 = arith.index_cast %add3A_281 : i32 to index
        %swap3A_286 = tpu.vector_load %swap3A_284[%swap3A_285] {strides = array<i32>} : memref<4096xf32, #tpu.memory_space<vmem>>, vector<16xf32>,
        tpu.vector_store %swap3A_284[%swap3A_285], %gather3A_275 {strides = array<i32>} : memref<4096xf32, #tpu.memory_space<vmem>>, vector<16xf32>,
        %mul3A_287 = arith.constant 8 : i32
        %mul3A_288 = arith.muli %scan3A_135, %mul3A_287 : i32
        %mul3A_289 = arith.constant 16 : i32
        %mul3A_290 = arith.muli %mul3A_288, %mul3A_289 : i32
        %add3A_291 = arith.constant 12288 : i32
        %add3A_292 = arith.addi %add3A_291, %mul3A_290 : i32
        %add3A_293 = arith.constant 112 : i32
        %add3A_294 = arith.addi %add3A_292, %add3A_293 : i32
        %get3A_295 = arith.index_cast %add3A_294 : i32 to index
        %get3A_296 = tpu.vector_load %arg6[%get3A_295] {strides = array<i32>} : memref<16384xi32, #tpu.memory_space<vmem>>, vector<16xi32>,
        %gather3A_297 = tpu.vector_load_idx %arg5[%get3A_296] : memref<100000xf32, #tpu.memory_space<vmem>>[vector<16xi32>], vector<16xf32>,
        %mul3A_298 = arith.constant 8 : i32
        %mul3A_299 = arith.muli %scan3A_135, %mul3A_298 : i32
        %mul3A_300 = arith.constant 16 : i32
        %mul3A_301 = arith.muli %mul3A_299, %mul3A_300 : i32
        %add3A_302 = arith.constant 112 : i32
        %add3A_303 = arith.addi %mul3A_301, %add3A_302 : i32
        %swap3A_304 = arith.constant 0 : i32
        %swap3A_305 = tpu.memref_slice %arg7[%scan3A_97, %swap3A_304] : memref<2x4096xf32, #tpu.memory_space<vmem>> -> memref<1x4096xf32, #tpu.memory_space<vmem>>
        %swap3A_306 = tpu.memref_squeeze %swap3A_305 : memref<1x4096xf32, #tpu.memory_space<vmem>> -> memref<4096xf32, #tpu.memory_space<vmem>>
        %swap3A_307 = arith.index_cast %add3A_303 : i32 to index
        %swap3A_308 = tpu.vector_load %swap3A_306[%swap3A_307] {strides = array<i32>} : memref<4096xf32, #tpu.memory_space<vmem>>, vector<16xf32>,
        tpu.vector_store %swap3A_306[%swap3A_307], %gather3A_297 {strides = array<i32>} : memref<4096xf32, #tpu.memory_space<vmem>>, vector<16xf32>,
      }
      %scan3A_102 = arith.constant 32 : i32
      %mul3A_103 = arith.constant 16384 : i32
      %mul3A_104 = arith.muli %add3A_13, %mul3A_103 : i32
      %add3A_105 = arith.constant 12288 : i32
      %add3A_106 = arith.addi %mul3A_104, %add3A_105 : i32
      %multiple_of3A_107 = tpu.assume_multiple %add3A_106, 8 : i32
      %dma_start3A_108 = arith.constant 1 : i32
      %dma_start3A_109 = arith.constant 0 : i32
      %dma_start3A_110 = tpu.memref_slice %arg7[%dma_start3A_108, %dma_start3A_109] : memref<2x4096xf32, #tpu.memory_space<vmem>> -> memref<1x4096xf32, #tpu.memory_space<vmem>>
      %dma_start3A_111 = tpu.memref_squeeze %dma_start3A_110 : memref<1x4096xf32, #tpu.memory_space<vmem>> -> memref<4096xf32, #tpu.memory_space<vmem>>
      %dma_start3A_112 = tpu.memref_slice %arg4[%multiple_of3A_107] : memref<13631488xf32, #tpu.memory_space<hbm>> -> memref<4096xf32, #tpu.memory_space<hbm>>
      %dma_start3A_113 = tpu.memref_slice %arg4[%multiple_of3A_107] : memref<13631488xf32, #tpu.memory_space<hbm>> -> memref<4096xf32, #tpu.memory_space<hbm>>
      %dma_start3A_114 = arith.constant 0 : i32
      %dma_start3A_115 = tpu.memref_slice %arg7[%dma_start3A_108, %dma_start3A_114] : memref<2x4096xf32, #tpu.memory_space<vmem>> -> memref<1x4096xf32, #tpu.memory_space<vmem>>
      %dma_start3A_116 = tpu.memref_squeeze %dma_start3A_115 : memref<1x4096xf32, #tpu.memory_space<vmem>> -> memref<4096xf32, #tpu.memory_space<vmem>>
      tpu.enqueue_dma source(%dma_start3A_116 : memref<4096xf32, #tpu.memory_space<vmem>>) target(%dma_start3A_113 : memref<4096xf32, #tpu.memory_space<hbm>>) target_semaphore(%arg8 : memref<!tpu.dma_semaphore, #tpu.memory_space<semaphore_mem>>)
      %dma_wait3A_117 = arith.constant 0 : i32
      %dma_wait3A_118 = arith.constant 0 : i32
      %dma_wait3A_119 = tpu.memref_slice %arg7[%dma_wait3A_117, %dma_wait3A_118] : memref<2x4096xf32, #tpu.memory_space<vmem>> -> memref<1x4096xf32, #tpu.memory_space<vmem>>
      %dma_wait3A_120 = tpu.memref_squeeze %dma_wait3A_119 : memref<1x4096xf32, #tpu.memory_space<vmem>> -> memref<4096xf32, #tpu.memory_space<vmem>>
      %dma_wait3A_121 = tpu.memref_slice %arg4[%multiple_of3A_78] : memref<13631488xf32, #tpu.memory_space<hbm>> -> memref<4096xf32, #tpu.memory_space<hbm>>
      %dma_wait3A_122 = tpu.memref_slice %arg4[%multiple_of3A_78] : memref<13631488xf32, #tpu.memory_space<hbm>> -> memref<4096xf32, #tpu.memory_space<hbm>>
      %dma_wait3A_123 = arith.constant 0 : i32
      %dma_wait3A_124 = tpu.memref_slice %arg7[%dma_wait3A_117, %dma_wait3A_123] : memref<2x4096xf32, #tpu.memory_space<vmem>> -> memref<1x4096xf32, #tpu.memory_space<vmem>>
      %dma_wait3A_125 = tpu.memref_squeeze %dma_wait3A_124 : memref<1x4096xf32, #tpu.memory_space<vmem>> -> memref<4096xf32, #tpu.memory_space<vmem>>
      tpu.wait_dma2 semaphore(%arg8 : memref<!tpu.dma_semaphore, #tpu.memory_space<semaphore_mem>>) src(%dma_wait3A_125 : memref<4096xf32, #tpu.memory_space<vmem>>) dst(%dma_wait3A_122 : memref<4096xf32, #tpu.memory_space<hbm>>)
      %dma_wait3A_126 = arith.constant 1 : i32
      %dma_wait3A_127 = arith.constant 0 : i32
      %dma_wait3A_128 = tpu.memref_slice %arg7[%dma_wait3A_126, %dma_wait3A_127] : memref<2x4096xf32, #tpu.memory_space<vmem>> -> memref<1x4096xf32, #tpu.memory_space<vmem>>
      %dma_wait3A_129 = tpu.memref_squeeze %dma_wait3A_128 : memref<1x4096xf32, #tpu.memory_space<vmem>> -> memref<4096xf32, #tpu.memory_space<vmem>>
      %dma_wait3A_130 = tpu.memref_slice %arg4[%multiple_of3A_107] : memref<13631488xf32, #tpu.memory_space<hbm>> -> memref<4096xf32, #tpu.memory_space<hbm>>
      %dma_wait3A_131 = tpu.memref_slice %arg4[%multiple_of3A_107] : memref<13631488xf32, #tpu.memory_space<hbm>> -> memref<4096xf32, #tpu.memory_space<hbm>>
      %dma_wait3A_132 = arith.constant 0 : i32
      %dma_wait3A_133 = tpu.memref_slice %arg7[%dma_wait3A_126, %dma_wait3A_132] : memref<2x4096xf32, #tpu.memory_space<vmem>> -> memref<1x4096xf32, #tpu.memory_space<vmem>>
      %dma_wait3A_134 = tpu.memref_squeeze %dma_wait3A_133 : memref<1x4096xf32, #tpu.memory_space<vmem>> -> memref<4096xf32, #tpu.memory_space<vmem>>
      tpu.wait_dma2 semaphore(%arg8 : memref<!tpu.dma_semaphore, #tpu.memory_space<semaphore_mem>>) src(%dma_wait3A_134 : memref<4096xf32, #tpu.memory_space<vmem>>) dst(%dma_wait3A_131 : memref<4096xf32, #tpu.memory_space<hbm>>)
      scf.yield %shift_right_logical3A_15 : i32
    }
    %scan3A_10 = arith.constant 26 : i32
    return
  }
}

</mosaic_0001>

<sc_bundles>
// kernel: kernel.3.cloned.1.call-start
scs
__scs_entry_jumppad:
0x0: {  	(pc) =	sbr.rel $0x88, $3  }
0x1: {  	(tag) =	ssettag $0x0;
	lr =	simm.s32 $0x1  }
0x2: {  	[smem:$0x3F9F] =	sst lr;
	_ =	strace $0xD0000000  }
0x3: {  	_ = 	snop  }
0x4: {  	_ = 	snop  }
0x5: {  	_ = 	snop  }
0x6: {  	_ = 	snop  }
0x7: {  	_ = 	snop  }
__scs_overlays_trampoline_lowered:
0x8: {  	[smem:$0x3FAE] =	sst s0  }
0x9: {  	[smem:$0x3FAF] =	sst s1  }
0xa: {  	[smem:$0x3FB0] =	sst s2  }
0xb: {  	[smem:$0x3FB1] =	sst s3  }
0xc: {  	[smem:$0x3FB2] =	sst s4  }
0xd: {  	[smem:$0x3FB3] =	sst s5  }
0xe: {  	[smem:$0x3FB4] =	sst s6  }
0xf: {  	[smem:$0x3FB5] =	sst s7  }
0x10: {  	[smem:$0x3FB6] =	sst s8  }
0x11: {  	[smem:$0x3FB7] =	sst s9;
	s0 =	simm.s32 @!p0 $0x0  }
0x12: {  	s1 =	sld [smem:$0x3F9D];
	s0 =	simm.s32 @p0 $0x1  }
0x13: {  	[smem:$0x3FB8] =	sst s0;
	s0 =	simm.s32 @!p1 $0x0  }
0x14: {  	s2 =	sld [smem:$0x3F9C];
	s0 =	simm.s32 @p1 $0x1  }
0x15: {  	[smem:$0x3FB9] =	sst s0;
	s0 =	simm.s32 @!p2 $0x0  }
0x16: {  	s3 =	sld [smem:$0x3FDB];
	s0 =	simm.s32 @p2 $0x1  }
0x17: {  	s4 =	simm.s32 $0x1BF5;
	[smem:$0x3FBB] =	sst s0  }
0x18: {  	s0 =	sld [smem:$0x3F9E];
	_ =	swait.ge [sflag:s4], $0x0  }
0x19: {  	s7 =	sld [smem:$0x3F9F]  }
0x1a: {  	s8 =	sadd.s32 $0xFFFFE003, lr  }
0x1b: {  	s9 =	sadd.s32 $0xFFFFFEF7, lr;
	s5 =	simm.s32 $0xFFFFFFFF;
	p2 =	slt.u32 s8, $0xFFFFF086  }
0x1c: {  	p1 =	slt.u32 s9, $0xF7A;
	s5 =	simm.s32 @!p2 $0x0  }
0x1d: {  	s5 =	simm.s32 @p1 $0x1;
	p0 =	seq.s32 s7, s2  }
0x1e: {  	s7 =	smul.u32 @!p0 $0xF7A, s2;
	p2 =	seq.s32 @!p0 s5, $0x0  }
0x1f: {  	s9 =	smul.u32 $0xF7A, s1;
	s8 =	simm.s32 @!p0 $0x1BF5;
	p2 =	por !p2, p0  }
0x20: {  	[sflag:s8] =	ssyncset.s32 @!p0 $0xFFFFF086;
	s6 =	sadd.s32 @!p0 s3, s7;
	s7 =	simm.s32 @!p0 $0x108  }
0x21: {  	s3 =	sadd.s32 s3, s9;
	s6 =	sadd.s32 @!p0 $0x88, s6;
	s7 =	simm.s32 @p2 $0x1082  }
0x22: {  	[simem:s7], [sflag:s8] =	dma.local @!p0 [hbm:s6], $0xF7A  }
0x23: {  	s9 =	sor.u32 $0xD0000000, s2;
	s6 =	simm.s32 $0x108;
	_ =	swait.ge @!p0 [sflag:s8], $0x0  }
0x24: {  	s3 =	sadd.s32 $0x88, s3;
	s6 =	simm.s32 @!p1 $0x1082;
	[sflag:s4] =	ssyncset.s32 $0xFFFFF086  }
0x25: {  	[simem:s6], [sflag:s4] =	dma.local [hbm:s3], $0xF7A  }
0x26: {  	[smem:$0x3F9F] =	sst s1;
	(tag) =	ssettag s2;
	_ =	strace s9  }
0x27: {  	s1 =	sld [smem:$0x3FAF]  }
0x28: {  	s2 =	sld [smem:$0x3FB0]  }
0x29: {  	s4 =	sld [smem:$0x3FB2]  }
0x2a: {  	p0 =	seq.s32 s5, $0x0;
	s5 =	sld [smem:$0x3FB3]  }
0x2b: {  	s6 =	sld [smem:$0x3FB4]  }
0x2c: {  	s7 =	sld [smem:$0x3FB5]  }
0x2d: {  	s3 =	simm.s32 $0x108;
	s8 =	sld [smem:$0x3FB6]  }
0x2e: {  	s3 =	simm.s32 @!p0 $0x1082;
	s9 =	sld [smem:$0x3FB7]  }
0x2f: {  	lr =	sadd.s32 s0, s3;
	s0 =	sld [smem:$0x3FAE]  }
0x30: {  	s3 =	sld [smem:$0x3FB1]  }
0x31: {  	[smem:$0x3FBA] =	sst s10  }
0x32: {  	s10 =	sld [smem:$0x3FB8];
	_ =	sdelay $0x3  }
0x33: {  	p0 =	seq.s32 s10, $0x1;
	s10 =	sld [smem:$0x3FBA];
	_ =	sdelay $0x3  }
0x34: {  	[smem:$0x3FBA] =	sst s10  }
0x35: {  	s10 =	sld [smem:$0x3FB9];
	_ =	sdelay $0x3  }
0x36: {  	p1 =	seq.s32 s10, $0x1;
	s10 =	sld [smem:$0x3FBA];
	_ =	sdelay $0x3  }
0x37: {  	[smem:$0x3FBA] =	sst s10  }
0x38: {  	s10 =	sld [smem:$0x3FBB]  }
0x39: {  	_ = 	snop;
	(pc) =	sbr.ind lr, $3  }
0x3a: {  	_ = 	snop  }
0x3b: {  	_ = 	snop  }
0x3c: {  	p2 =	seq.s32 s10, $0x1;
	s10 =	sld [smem:$0x3FBA]  }
0x3d: {  	_ =	shalt  }
0x3e: {  	_ =	shalt  }
0x3f: {  	_ =	shalt  }
0x40: {  	_ =	shalt  }
0x41: {  	_ =	shalt  }
0x42: {  	_ =	shalt  }
0x43: {  	_ =	shalt  }
0x44: {  	_ =	shalt  }
0x45: {  	_ =	shalt  }
0x46: {  	_ =	shalt  }
0x47: {  	_ =	shalt  }
0x48: {  	_ =	shalt  }
0x49: {  	_ =	shalt  }
0x4a: {  	_ =	shalt  }
0x4b: {  	_ =	shalt  }
0x4c: {  	_ =	shalt  }
0x4d: {  	_ =	shalt  }
0x4e: {  	_ =	shalt  }
0x4f: {  	_ =	shalt  }
0x50: {  	_ =	shalt  }
0x51: {  	_ =	shalt  }
0x52: {  	_ =	shalt  }
0x53: {  	_ =	shalt  }
0x54: {  	_ =	shalt  }
0x55: {  	_ =	shalt  }
0x56: {  	_ =	shalt  }
0x57: {  	_ =	shalt  }
0x58: {  	_ =	shalt  }
0x59: {  	_ =	shalt  }
0x5a: {  	_ =	shalt  }
0x5b: {  	_ =	shalt  }
0x5c: {  	_ =	shalt  }
0x5d: {  	_ =	shalt  }
0x5e: {  	_ =	shalt  }
0x5f: {  	_ =	shalt  }
0x60: {  	_ =	shalt  }
0x61: {  	_ =	shalt  }
0x62: {  	_ =	shalt  }
0x63: {  	_ =	shalt  }
0x64: {  	_ =	shalt  }
0x65: {  	_ =	shalt  }
0x66: {  	_ =	shalt  }
0x67: {  	_ =	shalt  }
0x68: {  	_ =	shalt  }
0x69: {  	_ =	shalt  }
0x6a: {  	_ =	shalt  }
0x6b: {  	_ =	shalt  }
0x6c: {  	_ =	shalt  }
0x6d: {  	_ =	shalt  }
0x6e: {  	_ =	shalt  }
0x6f: {  	_ =	shalt  }
0x70: {  	_ =	shalt  }
0x71: {  	_ =	shalt  }
0x72: {  	_ =	shalt  }
0x73: {  	_ =	shalt  }
0x74: {  	_ =	shalt  }
0x75: {  	_ =	shalt  }
0x76: {  	_ =	shalt  }
0x77: {  	_ =	shalt  }
0x78: {  	_ =	shalt  }
0x79: {  	_ =	shalt  }
0x7a: {  	_ =	shalt  }
0x7b: {  	_ =	shalt  }
0x7c: {  	_ =	shalt  }
0x7d: {  	_ =	shalt  }
0x7e: {  	_ =	shalt  }
0x7f: {  	_ =	shalt  }
0x80: {  	_ =	shalt  }
0x81: {  	_ =	shalt  }
0x82: {  	_ =	shalt  }
0x83: {  	_ =	shalt  }
0x84: {  	_ =	shalt  }
0x85: {  	_ =	shalt  }
0x86: {  	_ =	shalt  }
0x87: {  	_ =	shalt  }
.Lfunc_end0:
.L_simem_size_0:
called_computation_lowered:
.L_overlay_start_0:
0x88: {  	s2 =	sld [smem:$0x3FD9]  }
0x89: {  	s3 =	sld [smem:$0x3FFE];
	_ =	sdelay $0x1  }
0x8a: {  	s1 =	srdreg.scid  }
0x8b: {  	s0 =	sand.u32 $0x1, s1  }
0x8c: {  	s17 =	sshll.u32 s0, $0xA;
	s2 =	sadd.s32 s3, s2  }
0x8d: {  	s2 =	sadd.s32 s2, s17  }
0x8e: {  	[smem:$0x3FC6] =	sst s2  }
0x8f: {  	_ = 	snop  }
0x90: {  	s2 =	sld [smem:$0x3FD0];
	(tm) =	ssettm $0x1  }
0x91: {  	s18 =	sld [smem:$0x3FFB];
	_ =	sdelay $0x3  }
0x92: {  	_ =	strace s18  }
0x93: {  	s3 =	sld [smem:$0x3FFC];
	_ =	sdelay $0x3  }
0x94: {  	_ =	strace s3  }
0x95: {  	s3 =	sld [smem:$0x3FFD];
	_ =	sdelay $0x3  }
0x96: {  	_ =	strace s3  }
0x97: {  	_ =	strace $0x8FFFFFFF  }
0x98: {  	s19 =	sld [smem:$0x3FDB];
	_ =	sdelay $0x1  }
0x99: {  	s4 =	simm.s32 $_scs_section_size  }
0x9a: {  	s5 =	simm.s32 $_size__tile_overlayer_lowered;
	s6 =	simm.s32 $_tile_overlayer_lowered  }
0x9b: {  	s22 =	simm.s32 $0x1BFF;
	s21 =	sshll.u32 s6, $0x1;
	s3 =	sadd.s32 s4, s19  }
0x9c: {  	s7 =	simm.s32 $0x0;
	s20 =	sshll.u32 s5, $0x1;
	s5 =	sadd.s32 s21, s3  }
0x9d: {  	[timem:s7], [sflag:s22] =	dma.local [hbm:s5], s20  }
0x9e: {  	_ =	swait.ge [sflag:s22], s20  }
0x9f: {  	s4 =	ssub.s32 $0x0, s20;
	[sflag:s22] =	ssyncset.done $0x0  }
0xa0: {  	[sflag:s22] =	ssyncadd.s32 s4;
	_ =	sdelay $0x1  }
0xa1: {  	s23 =	simm.s32 $0x1B8B  }
0xa2: {  	_ =	swait.ge [sflag:s23], $0x1  }
0xa3: {  	[sflag:s23] =	ssyncset.done $0x0  }
0xa4: {  	s25 =	simm.s32 $0x1B8E;
	s24 =	sld [smem:$0x3FFE];
	[sflag:s23] =	ssyncadd.s32 $0xFFFFFFFF  }
0xa5: {  	s26 =	simm.s32 $execute0_lowered;
	[smem:$0x3FD2] =	sst s25  }
0xa6: {  	s5 =	sshll.u32 s26, $0x1;
	_ =	strace $0x80000046;
	[dreg:$0x1] =	wrdreg $0xFFFFFFFF  }
0xa7: {  	s28 =	simm.s32 $_size_execute0_lowered;
	s3 =	sadd.s32 s3, s5;
	[dreg:$0x0] =	wrdreg $0x0  }
0xa8: {  	s5 =	sshll.u32 s28, $0x1;
	[dreg:$0x2] =	wrdreg s3  }
0xa9: {  	[dreg:$0x3] =	wrdreg s5  }
0xaa: {  	[dreg:$0x4] =	wrdreg $0xC0  }
0xab: {  	_ =	task [dreg:s7], $0x5FFFF  }
0xac: {  	[dreg:$0x1] =	wrdreg $0xFFFFFFFF  }
0xad: {  	[dreg:$0x0] =	wrdreg $0x60  }
0xae: {  	[dreg:$0x2] =	wrdreg s2  }
0xaf: {  	[dreg:$0x3] =	wrdreg s24  }
0xb0: {  	[dreg:$0x4] =	wrdreg $0x9  }
0xb1: {  	_ =	task.clear_ibuf [dreg:s7], $0x5FFFF;
	_ =	strace $0x90000046  }
0xb2: {  	s29 =	simm.s32 $0x9;
	_ =	strace $0x80000048  }
0xb3: {  	_ =	swait.ge [sflag:s29], $0x1  }
0xb4: {  	[sflag:s29] =	ssyncadd.s32 $0xFFFFFFFF  }
0xb5: {  	_ =	strace $0x90000048  }
0xb6: {  	_ =	sfence  }
0xb7: {  	s30 =	sld [smem:$0x0];
	_ =	sdelay $0x2  }
0xb8: {  	s31 =	sshll.u32 s1, $0xD;
	s1 =	sshrl.u32 s1, $0x2  }
0xb9: {  	s3 =	sand.u32 $0x4000, s31;
	s1 =	sadd.s32 s1, s30  }
0xba: {  	s0 =	sor.u32 s3, s0;
	s1 =	sshll.u32 s1, $0x11  }
0xbb: {  	s0 =	sor.u32 s1, s0  }
0xbc: {  	s0 =	sadd.s32 $0x8F2B, s0  }
0xbd: {  	[sflag:s0] =	ssyncadd.remote.s32 $0x1  }
0xbe: {  	_ =	sfence.sel $0xFFFF  }
0xbf: {  	[dreg:$0x0] =	wrdreg $0xFFFFFFFF;
	(pc) =	sbr.abs _section_cstart, $3  }
0xc0: {  	[dreg:$0x1] =	wrdreg $0xFFFFFFFF  }
0xc1: {  	_ =	task.clear_ibuf [dreg:s7], $0x2FFFF;
	_ =	strace $0x9FFFFFFF  }
0xc2: {  	(tm) =	ssettm $0x7FFFFFFF  }
0xc3: {  	_ =	shalt  }
tec
execute0_lowered:
.L_overlay_start_1:
0x0: {  	(tag) =	ssettag $0x1  }
0x1: {  	s2 =	rddreg [dreg:$0x0];
	s1 =	srdreg.scid  }
0x2: {  	s0 =	stileid.u32;
	s11 =	rddreg [dreg:$0x1]  }
0x3: {  	s3 =	simm.s32 $0x0;
	s13 =	simm.s32 $0x186A0;
	s14 =	simm.s32 $0x2  }
0x4: {  	s15 =	simm.s32 $0x1C6A0;
	s16 =	simm.s32 $0x1D6A0;
	s17 =	simm.s32 $0x1  }
0x5: {  	s5 =	sand.u32 $0x1, s1;
	s4 =	sshll.u32 s0, $0x1;
	s1 =	rddreg [dreg:$0x2]  }
0x6: {  	s18 =	simm.s32 $0x0;
	[smem:$0x7FF] =	sst s3;
	s4 =	sor.u32 s5, s4  }
0x7: {  	s6 =	sadd.s32 $0x9EB600, s11;
	s7 =	ssub.s32 $0x2, s5;
	s4 =	smul.u32 $0x1A, s4  }
0x8: {  	s10 =	sadd.s32 $0x9EBA00, s11;
	_ =	strace $0x80000047;
	s8 =	sshrl.u32 s7, $0x1  }
0x9: {  	s5 =	sadd.s32 $0x400, s11;
	s12 =	ssub.s32 s7, s8;
	s9 =	sshll.u32 s4, $0x6  }
0xa: {  	s7 =	sshrl.u32 s4, $0x5;
	s12 =	smax.u32 s12, $0x1;
	s31 =	sand.u32 $0xF800, s9  }
0xb: {  	s9 =	sadd.s32 $0x9EB800, s11;
	s11 =	sadd.s32 $0x9EBC00, s11;
	s8 =	sadd.s32 s2, s31  }
.LBB2_1:
0xc: {  	[tilespmem:s13], [sflag:$0x2] =	stream.linear.gather [hbm4b:s8+s3], $0x4000, $0x38;
	[tilespmem:$0x1E6A0] =	vst v63  }
0xd: {  	_ =	swait.ge [sflag:s14], $0x4000  }
0xe: {  	[sflag:s14] =	ssyncset.done $0x0  }
0xf: {  	s20 =	smov.u32 s7;
	s19 =	simm.s32 $0x0;
	[sflag:s14] =	ssyncadd.s32 $0xFFFFC000  }
.LBB2_2:
0x10: {  	s21 =	sadd.s32 s4, s19  }
0x11: {  	s22 =	smov.u32 s20;
	s20 =	sshrl.u32 s21, $0x5  }
0x12: {  	p0 =	seq.s32 s20, s22  }
0x13: {  	s22 =	sshll.u32 @!p0 s20, $0xB  }
0x14: {  	s22 =	sand.u32 @!p0 $0x1FFFF800, s22  }
0x15: {  	s23 =	simm.s32 @!p0 $0x0;
	s24 =	simm.s32 @!p0 $0x186A0;
	s22 =	sadd.s32 @!p0 s2, s22  }
0x16: {  	[tilespmem:s24], [sflag:$0x2] =	stream.linear.gather @!p0 [hbm4b:s22+s23], $0x4000, $0x38;
	[tilespmem:$0x1E6A0] =	vst v63  }
0x17: {  	s22 =	simm.s32 @!p0 $0x2  }
0x18: {  	s29 =	smul.u32 $0x30D4, s21;
	_ =	swait.ge @!p0 [sflag:s22], $0x4000  }
0x19: {  	[sflag:s22] =	ssyncset.done @!p0 $0x0  }
0x1a: {  	s31 =	simm.s32 $0x0;
	s30 =	sadd.s32 s5, s29;
	[sflag:s22] =	ssyncadd.s32 @!p0 $0xFFFFC000  }
0x1b: {  	[tilespmem:s31], [sflag:$0x2] =	stream.linear.gather [hbm4b:s30+s31], $0x186A0, $0x38;
	[tilespmem:$0x1E6A0] =	vst v63  }
0x1c: {  	_ =	swait.ge [sflag:s14], $0x186A0  }
0x1d: {  	[sflag:s14] =	ssyncset.done $0x0  }
0x1e: {  	s22 =	simm.s32 $0x0;
	[sflag:s14] =	ssyncadd.s32 $0xFFFE7960  }
0x1f: {  	v0 =	vld [tilespmem:s22+$0x186A0];
	_ =	sdelay $0x5  }
0x20: {  	v1 =	vld [tilespmem:s22+$0x186B0];
	_ =	sdelay $0x1  }
0x21: {  	v0 =	vld.idx.msk [tilespmem:v0+s3+$0x0], $0xffff;
	_ =	sdelay $0x4  }
0x22: {  	[tilespmem:s22+$0x1C6A0] =	vst v0;
	v0 =	vld [tilespmem:s22+$0x186C0]  }
0x23: {  	v1 =	vld.idx.msk [tilespmem:v1+s3+$0x0], $0xffff;
	_ =	sdelay $0x4  }
0x24: {  	[tilespmem:s22+$0x1C6B0] =	vst v1;
	v1 =	vld [tilespmem:s22+$0x186D0];
	_ =	sdelay $0x1  }
0x25: {  	v0 =	vld.idx.msk [tilespmem:v0+s3+$0x0], $0xffff;
	_ =	sdelay $0x4  }
0x26: {  	[tilespmem:s22+$0x1C6C0] =	vst v0;
	v0 =	vld [tilespmem:s22+$0x186E0]  }
0x27: {  	v1 =	vld.idx.msk [tilespmem:v1+s3+$0x0], $0xffff;
	_ =	sdelay $0x4  }
0x28: {  	[tilespmem:s22+$0x1C6D0] =	vst v1;
	v1 =	vld [tilespmem:s22+$0x186F0];
	_ =	sdelay $0x1  }
0x29: {  	v0 =	vld.idx.msk [tilespmem:v0+s3+$0x0], $0xffff;
	_ =	sdelay $0x4  }
0x2a: {  	v2 =	vld [tilespmem:s22+$0x18700];
	[tilespmem:s22+$0x1C6E0] =	vst v0  }
0x2b: {  	v0 =	vld.idx.msk [tilespmem:v1+s3+$0x0], $0xffff;
	_ =	sdelay $0x4  }
0x2c: {  	[tilespmem:s22+$0x1C6F0] =	vst v0;
	v0 =	vld [tilespmem:s22+$0x18710];
	_ =	sdelay $0x1  }
0x2d: {  	v1 =	vld.idx.msk [tilespmem:v2+s3+$0x0], $0xffff;
	_ =	sdelay $0x3  }
0x2e: {  	s24 =	simm.s32 $0x80;
	s23 =	simm.s32 $0x400  }
.LBB2_3:
0x2f: {  	p0 =	sne.s32 s23, $0x3E00;
	v2 =	vld [tilespmem:s24+$0x186A0];
	[tilespmem:s22+$0x1C700] =	vst v1  }
0x30: {  	v0 =	vld.idx.msk [tilespmem:v0+s3+$0x0], $0xffff;
	_ =	sdelay $0x5  }
0x31: {  	v1 =	vld [tilespmem:s24+$0x186B0];
	[tilespmem:s22+$0x1C710] =	vst v0;
	s22 =	smov.u32 s24  }
0x32: {  	v0 =	vld.idx.msk [tilespmem:v2+s3+$0x0], $0xffff;
	_ =	sdelay $0x5  }
0x33: {  	[tilespmem:s22+$0x1C6A0] =	vst v0;
	v0 =	vld [tilespmem:s22+$0x186C0]  }
0x34: {  	v1 =	vld.idx.msk [tilespmem:v1+s3+$0x0], $0xffff;
	_ =	sdelay $0x5  }
0x35: {  	[tilespmem:s22+$0x1C6B0] =	vst v1;
	v1 =	vld [tilespmem:s22+$0x186D0]  }
0x36: {  	v0 =	vld.idx.msk [tilespmem:v0+s3+$0x0], $0xffff;
	_ =	sdelay $0x5  }
0x37: {  	[tilespmem:s22+$0x1C6C0] =	vst v0;
	v0 =	vld [tilespmem:s22+$0x186E0]  }
0x38: {  	v1 =	vld.idx.msk [tilespmem:v1+s3+$0x0], $0xffff;
	_ =	sdelay $0x5  }
0x39: {  	[tilespmem:s22+$0x1C6D0] =	vst v1;
	v1 =	vld [tilespmem:s22+$0x186F0]  }
0x3a: {  	v0 =	vld.idx.msk [tilespmem:v0+s3+$0x0], $0xffff;
	_ =	sdelay $0x5  }
0x3b: {  	[tilespmem:s22+$0x1C6E0] =	vst v0;
	v2 =	vld [tilespmem:s22+$0x18700]  }
0x3c: {  	v0 =	vld.idx.msk [tilespmem:v1+s3+$0x0], $0xffff;
	_ =	sdelay $0x5  }
0x3d: {  	[tilespmem:s22+$0x1C6F0] =	vst v0;
	v0 =	vld [tilespmem:s22+$0x18710]  }
0x3e: {  	v1 =	vld.idx.msk [tilespmem:v2+s3+$0x0], $0xffff  }
.Ltmp0:
0x3f: {  	(pc) =	sbr.rel @p0 .LBB2_3-.Ltmp0, $2  }
0x40: {  	_ =	sdelay $0x2  }
0x41: {  	s24 =	sshra.s32 s23, $0x2;
	s23 =	sadd.s32 $0x200, s23  }
0x42: {  	_ =	sdelay $0x1  }
0x43: {  	v2 =	vld [tilespmem:s24+$0x186A0]  }
0x44: {  	[tilespmem:s22+$0x1C700] =	vst v1  }
0x45: {  	v0 =	vld.idx.msk [tilespmem:v0+s3+$0x0], $0xffff;
	_ =	sdelay $0x3  }
0x46: {  	v1 =	vld [tilespmem:s24+$0x186B0]  }
0x47: {  	[tilespmem:s22+$0x1C710] =	vst v0  }
0x48: {  	v0 =	vld.idx.msk [tilespmem:v2+s3+$0x0], $0xffff;
	_ =	sdelay $0x4  }
0x49: {  	[tilespmem:s24+$0x1C6A0] =	vst v0;
	v0 =	vld [tilespmem:s24+$0x186C0]  }
0x4a: {  	v1 =	vld.idx.msk [tilespmem:v1+s3+$0x0], $0xffff;
	_ =	sdelay $0x4  }
0x4b: {  	[tilespmem:s24+$0x1C6B0] =	vst v1;
	v1 =	vld [tilespmem:s24+$0x186D0];
	_ =	sdelay $0x1  }
0x4c: {  	v0 =	vld.idx.msk [tilespmem:v0+s3+$0x0], $0xffff;
	_ =	sdelay $0x4  }
0x4d: {  	[tilespmem:s24+$0x1C6C0] =	vst v0;
	v0 =	vld [tilespmem:s24+$0x186E0]  }
0x4e: {  	v1 =	vld.idx.msk [tilespmem:v1+s3+$0x0], $0xffff;
	_ =	sdelay $0x4  }
0x4f: {  	[tilespmem:s24+$0x1C6D0] =	vst v1;
	v1 =	vld [tilespmem:s24+$0x186F0];
	_ =	sdelay $0x1  }
0x50: {  	v0 =	vld.idx.msk [tilespmem:v0+s3+$0x0], $0xffff;
	_ =	sdelay $0x4  }
0x51: {  	[tilespmem:s24+$0x1C6E0] =	vst v0;
	v0 =	vld [tilespmem:s24+$0x18700]  }
0x52: {  	v1 =	vld.idx.msk [tilespmem:v1+s3+$0x0], $0xffff;
	_ =	sdelay $0x4  }
0x53: {  	[tilespmem:s24+$0x1C6F0] =	vst v1;
	v1 =	vld [tilespmem:s24+$0x18710];
	_ =	sdelay $0x1  }
0x54: {  	v0 =	vld.idx.msk [tilespmem:v0+s3+$0x0], $0xffff;
	_ =	sdelay $0x4  }
0x55: {  	[tilespmem:s24+$0x1C700] =	vst v0  }
0x56: {  	v0 =	vld.idx.msk [tilespmem:v1+s3+$0x0], $0xffff;
	_ =	sdelay $0x3  }
0x57: {  	s21 =	sshll.u32 s21, $0xB  }
0x58: {  	s23 =	simm.s32 $0x0;
	s31 =	sadd.s32 s6, s21;
	s22 =	simm.s32 $0x0;
	[tilespmem:s24+$0x1C710] =	vst v0  }
0x59: {  	[hbm4b:s31+s23] =	stream.linear.scatter [tilespmem:s15], [sflag:$0x1], $0x1000, $0x38;
	[tilespmem:$0x1E6A0] =	vst v63  }
0x5a: {  	v0 =	vld [tilespmem:s22+$0x196A0];
	_ =	sdelay $0x5  }
0x5b: {  	v1 =	vld [tilespmem:s22+$0x196B0];
	_ =	sdelay $0x1  }
0x5c: {  	v0 =	vld.idx.msk [tilespmem:v0+s3+$0x0], $0xffff;
	_ =	sdelay $0x4  }
0x5d: {  	[tilespmem:s22+$0x1D6A0] =	vst v0;
	v0 =	vld [tilespmem:s22+$0x196C0]  }
0x5e: {  	v1 =	vld.idx.msk [tilespmem:v1+s3+$0x0], $0xffff;
	_ =	sdelay $0x4  }
0x5f: {  	[tilespmem:s22+$0x1D6B0] =	vst v1;
	v1 =	vld [tilespmem:s22+$0x196D0];
	_ =	sdelay $0x1  }
0x60: {  	v0 =	vld.idx.msk [tilespmem:v0+s3+$0x0], $0xffff;
	_ =	sdelay $0x4  }
0x61: {  	[tilespmem:s22+$0x1D6C0] =	vst v0;
	v0 =	vld [tilespmem:s22+$0x196E0]  }
0x62: {  	v1 =	vld.idx.msk [tilespmem:v1+s3+$0x0], $0xffff;
	_ =	sdelay $0x4  }
0x63: {  	[tilespmem:s22+$0x1D6D0] =	vst v1;
	v1 =	vld [tilespmem:s22+$0x196F0];
	_ =	sdelay $0x1  }
0x64: {  	v0 =	vld.idx.msk [tilespmem:v0+s3+$0x0], $0xffff;
	_ =	sdelay $0x4  }
0x65: {  	v2 =	vld [tilespmem:s22+$0x19700];
	[tilespmem:s22+$0x1D6E0] =	vst v0  }
0x66: {  	v0 =	vld.idx.msk [tilespmem:v1+s3+$0x0], $0xffff;
	_ =	sdelay $0x4  }
0x67: {  	[tilespmem:s22+$0x1D6F0] =	vst v0;
	v0 =	vld [tilespmem:s22+$0x19710];
	_ =	sdelay $0x1  }
0x68: {  	v1 =	vld.idx.msk [tilespmem:v2+s3+$0x0], $0xffff;
	_ =	sdelay $0x3  }
0x69: {  	s24 =	simm.s32 $0x80;
	s23 =	simm.s32 $0x400  }
.LBB2_5:
0x6a: {  	p0 =	sne.s32 s23, $0x3E00;
	v2 =	vld [tilespmem:s24+$0x196A0];
	[tilespmem:s22+$0x1D700] =	vst v1  }
0x6b: {  	v0 =	vld.idx.msk [tilespmem:v0+s3+$0x0], $0xffff;
	_ =	sdelay $0x5  }
0x6c: {  	v1 =	vld [tilespmem:s24+$0x196B0];
	[tilespmem:s22+$0x1D710] =	vst v0;
	s22 =	smov.u32 s24  }
0x6d: {  	v0 =	vld.idx.msk [tilespmem:v2+s3+$0x0], $0xffff;
	_ =	sdelay $0x5  }
0x6e: {  	[tilespmem:s22+$0x1D6A0] =	vst v0;
	v0 =	vld [tilespmem:s22+$0x196C0]  }
0x6f: {  	v1 =	vld.idx.msk [tilespmem:v1+s3+$0x0], $0xffff;
	_ =	sdelay $0x5  }
0x70: {  	[tilespmem:s22+$0x1D6B0] =	vst v1;
	v1 =	vld [tilespmem:s22+$0x196D0]  }
0x71: {  	v0 =	vld.idx.msk [tilespmem:v0+s3+$0x0], $0xffff;
	_ =	sdelay $0x5  }
0x72: {  	[tilespmem:s22+$0x1D6C0] =	vst v0;
	v0 =	vld [tilespmem:s22+$0x196E0]  }
0x73: {  	v1 =	vld.idx.msk [tilespmem:v1+s3+$0x0], $0xffff;
	_ =	sdelay $0x5  }
0x74: {  	[tilespmem:s22+$0x1D6D0] =	vst v1;
	v1 =	vld [tilespmem:s22+$0x196F0]  }
0x75: {  	v0 =	vld.idx.msk [tilespmem:v0+s3+$0x0], $0xffff;
	_ =	sdelay $0x5  }
0x76: {  	[tilespmem:s22+$0x1D6E0] =	vst v0;
	v2 =	vld [tilespmem:s22+$0x19700]  }
0x77: {  	v0 =	vld.idx.msk [tilespmem:v1+s3+$0x0], $0xffff;
	_ =	sdelay $0x5  }
0x78: {  	[tilespmem:s22+$0x1D6F0] =	vst v0;
	v0 =	vld [tilespmem:s22+$0x19710]  }
0x79: {  	v1 =	vld.idx.msk [tilespmem:v2+s3+$0x0], $0xffff  }
.Ltmp1:
0x7a: {  	(pc) =	sbr.rel @p0 .LBB2_5-.Ltmp1, $2  }
0x7b: {  	_ =	sdelay $0x2  }
0x7c: {  	s24 =	sshra.s32 s23, $0x2;
	s23 =	sadd.s32 $0x200, s23  }
0x7d: {  	_ =	sdelay $0x1  }
0x7e: {  	v2 =	vld [tilespmem:s24+$0x196A0]  }
0x7f: {  	[tilespmem:s22+$0x1D700] =	vst v1  }
0x80: {  	v0 =	vld.idx.msk [tilespmem:v0+s3+$0x0], $0xffff;
	_ =	sdelay $0x3  }
0x81: {  	v1 =	vld [tilespmem:s24+$0x196B0]  }
0x82: {  	[tilespmem:s22+$0x1D710] =	vst v0  }
0x83: {  	v0 =	vld.idx.msk [tilespmem:v2+s3+$0x0], $0xffff;
	_ =	sdelay $0x4  }
0x84: {  	[tilespmem:s24+$0x1D6A0] =	vst v0;
	v0 =	vld [tilespmem:s24+$0x196C0]  }
0x85: {  	v1 =	vld.idx.msk [tilespmem:v1+s3+$0x0], $0xffff;
	_ =	sdelay $0x4  }
0x86: {  	[tilespmem:s24+$0x1D6B0] =	vst v1;
	v1 =	vld [tilespmem:s24+$0x196D0];
	_ =	sdelay $0x1  }
0x87: {  	v0 =	vld.idx.msk [tilespmem:v0+s3+$0x0], $0xffff;
	_ =	sdelay $0x4  }
0x88: {  	[tilespmem:s24+$0x1D6C0] =	vst v0;
	v0 =	vld [tilespmem:s24+$0x196E0]  }
0x89: {  	v1 =	vld.idx.msk [tilespmem:v1+s3+$0x0], $0xffff;
	_ =	sdelay $0x4  }
0x8a: {  	[tilespmem:s24+$0x1D6D0] =	vst v1;
	v1 =	vld [tilespmem:s24+$0x196F0];
	_ =	sdelay $0x1  }
0x8b: {  	v0 =	vld.idx.msk [tilespmem:v0+s3+$0x0], $0xffff;
	_ =	sdelay $0x4  }
0x8c: {  	[tilespmem:s24+$0x1D6E0] =	vst v0;
	v0 =	vld [tilespmem:s24+$0x19700]  }
0x8d: {  	v1 =	vld.idx.msk [tilespmem:v1+s3+$0x0], $0xffff;
	_ =	sdelay $0x4  }
0x8e: {  	[tilespmem:s24+$0x1D6F0] =	vst v1;
	v1 =	vld [tilespmem:s24+$0x19710];
	_ =	sdelay $0x1  }
0x8f: {  	v0 =	vld.idx.msk [tilespmem:v0+s3+$0x0], $0xffff;
	_ =	sdelay $0x4  }
0x90: {  	[tilespmem:s24+$0x1D700] =	vst v0  }
0x91: {  	v0 =	vld.idx.msk [tilespmem:v1+s3+$0x0], $0xffff;
	_ =	sdelay $0x4  }
0x92: {  	s31 =	sadd.s32 s21, s9;
	s23 =	simm.s32 $0x0;
	[tilespmem:s24+$0x1D710] =	vst v0  }
0x93: {  	[hbm4b:s31+s23] =	stream.linear.scatter [tilespmem:s16], [sflag:$0x1], $0x1000, $0x38;
	[tilespmem:$0x1E6A0] =	vst v63  }
0x94: {  	_ =	swait.ge [sflag:s17], $0x1000  }
0x95: {  	[sflag:s17] =	ssyncset.done $0x0  }
0x96: {  	s22 =	simm.s32 $0x0;
	[sflag:s17] =	ssyncadd.s32 $0xFFFFF000  }
0x97: {  	v0 =	vld [tilespmem:s22+$0x1A6A0];
	_ =	sdelay $0x5  }
0x98: {  	v1 =	vld [tilespmem:s22+$0x1A6B0];
	_ =	sdelay $0x1  }
0x99: {  	v0 =	vld.idx.msk [tilespmem:v0+s3+$0x0], $0xffff;
	_ =	sdelay $0x4  }
0x9a: {  	[tilespmem:s22+$0x1C6A0] =	vst v0;
	v0 =	vld [tilespmem:s22+$0x1A6C0]  }
0x9b: {  	v1 =	vld.idx.msk [tilespmem:v1+s3+$0x0], $0xffff;
	_ =	sdelay $0x4  }
0x9c: {  	[tilespmem:s22+$0x1C6B0] =	vst v1;
	v1 =	vld [tilespmem:s22+$0x1A6D0];
	_ =	sdelay $0x1  }
0x9d: {  	v0 =	vld.idx.msk [tilespmem:v0+s3+$0x0], $0xffff;
	_ =	sdelay $0x4  }
0x9e: {  	[tilespmem:s22+$0x1C6C0] =	vst v0;
	v0 =	vld [tilespmem:s22+$0x1A6E0]  }
0x9f: {  	v1 =	vld.idx.msk [tilespmem:v1+s3+$0x0], $0xffff;
	_ =	sdelay $0x4  }
0xa0: {  	[tilespmem:s22+$0x1C6D0] =	vst v1;
	v1 =	vld [tilespmem:s22+$0x1A6F0];
	_ =	sdelay $0x1  }
0xa1: {  	v0 =	vld.idx.msk [tilespmem:v0+s3+$0x0], $0xffff;
	_ =	sdelay $0x4  }
0xa2: {  	v2 =	vld [tilespmem:s22+$0x1A700];
	[tilespmem:s22+$0x1C6E0] =	vst v0  }
0xa3: {  	v0 =	vld.idx.msk [tilespmem:v1+s3+$0x0], $0xffff;
	_ =	sdelay $0x4  }
0xa4: {  	[tilespmem:s22+$0x1C6F0] =	vst v0;
	v0 =	vld [tilespmem:s22+$0x1A710];
	_ =	sdelay $0x1  }
0xa5: {  	v1 =	vld.idx.msk [tilespmem:v2+s3+$0x0], $0xffff;
	_ =	sdelay $0x3  }
0xa6: {  	s24 =	simm.s32 $0x80;
	s23 =	simm.s32 $0x400  }
.LBB2_7:
0xa7: {  	p0 =	sne.s32 s23, $0x3E00;
	v2 =	vld [tilespmem:s24+$0x1A6A0];
	[tilespmem:s22+$0x1C700] =	vst v1  }
0xa8: {  	v0 =	vld.idx.msk [tilespmem:v0+s3+$0x0], $0xffff;
	_ =	sdelay $0x5  }
0xa9: {  	v1 =	vld [tilespmem:s24+$0x1A6B0];
	[tilespmem:s22+$0x1C710] =	vst v0;
	s22 =	smov.u32 s24  }
0xaa: {  	v0 =	vld.idx.msk [tilespmem:v2+s3+$0x0], $0xffff;
	_ =	sdelay $0x5  }
0xab: {  	[tilespmem:s22+$0x1C6A0] =	vst v0;
	v0 =	vld [tilespmem:s22+$0x1A6C0]  }
0xac: {  	v1 =	vld.idx.msk [tilespmem:v1+s3+$0x0], $0xffff;
	_ =	sdelay $0x5  }
0xad: {  	[tilespmem:s22+$0x1C6B0] =	vst v1;
	v1 =	vld [tilespmem:s22+$0x1A6D0]  }
0xae: {  	v0 =	vld.idx.msk [tilespmem:v0+s3+$0x0], $0xffff;
	_ =	sdelay $0x5  }
0xaf: {  	[tilespmem:s22+$0x1C6C0] =	vst v0;
	v0 =	vld [tilespmem:s22+$0x1A6E0]  }
0xb0: {  	v1 =	vld.idx.msk [tilespmem:v1+s3+$0x0], $0xffff;
	_ =	sdelay $0x5  }
0xb1: {  	[tilespmem:s22+$0x1C6D0] =	vst v1;
	v1 =	vld [tilespmem:s22+$0x1A6F0]  }
0xb2: {  	v0 =	vld.idx.msk [tilespmem:v0+s3+$0x0], $0xffff;
	_ =	sdelay $0x5  }
0xb3: {  	[tilespmem:s22+$0x1C6E0] =	vst v0;
	v2 =	vld [tilespmem:s22+$0x1A700]  }
0xb4: {  	v0 =	vld.idx.msk [tilespmem:v1+s3+$0x0], $0xffff;
	_ =	sdelay $0x5  }
0xb5: {  	[tilespmem:s22+$0x1C6F0] =	vst v0;
	v0 =	vld [tilespmem:s22+$0x1A710]  }
0xb6: {  	v1 =	vld.idx.msk [tilespmem:v2+s3+$0x0], $0xffff  }
.Ltmp2:
0xb7: {  	(pc) =	sbr.rel @p0 .LBB2_7-.Ltmp2, $2  }
0xb8: {  	_ =	sdelay $0x2  }
0xb9: {  	s24 =	sshra.s32 s23, $0x2;
	s23 =	sadd.s32 $0x200, s23  }
0xba: {  	_ =	sdelay $0x1  }
0xbb: {  	v2 =	vld [tilespmem:s24+$0x1A6A0]  }
0xbc: {  	[tilespmem:s22+$0x1C700] =	vst v1  }
0xbd: {  	v0 =	vld.idx.msk [tilespmem:v0+s3+$0x0], $0xffff;
	_ =	sdelay $0x3  }
0xbe: {  	v1 =	vld [tilespmem:s24+$0x1A6B0]  }
0xbf: {  	[tilespmem:s22+$0x1C710] =	vst v0  }
0xc0: {  	v0 =	vld.idx.msk [tilespmem:v2+s3+$0x0], $0xffff;
	_ =	sdelay $0x4  }
0xc1: {  	[tilespmem:s24+$0x1C6A0] =	vst v0;
	v0 =	vld [tilespmem:s24+$0x1A6C0]  }
0xc2: {  	v1 =	vld.idx.msk [tilespmem:v1+s3+$0x0], $0xffff;
	_ =	sdelay $0x4  }
0xc3: {  	[tilespmem:s24+$0x1C6B0] =	vst v1;
	v1 =	vld [tilespmem:s24+$0x1A6D0];
	_ =	sdelay $0x1  }
0xc4: {  	v0 =	vld.idx.msk [tilespmem:v0+s3+$0x0], $0xffff;
	_ =	sdelay $0x4  }
0xc5: {  	[tilespmem:s24+$0x1C6C0] =	vst v0;
	v0 =	vld [tilespmem:s24+$0x1A6E0]  }
0xc6: {  	v1 =	vld.idx.msk [tilespmem:v1+s3+$0x0], $0xffff;
	_ =	sdelay $0x4  }
0xc7: {  	[tilespmem:s24+$0x1C6D0] =	vst v1;
	v1 =	vld [tilespmem:s24+$0x1A6F0];
	_ =	sdelay $0x1  }
0xc8: {  	v0 =	vld.idx.msk [tilespmem:v0+s3+$0x0], $0xffff;
	_ =	sdelay $0x4  }
0xc9: {  	[tilespmem:s24+$0x1C6E0] =	vst v0;
	v0 =	vld [tilespmem:s24+$0x1A700]  }
0xca: {  	v1 =	vld.idx.msk [tilespmem:v1+s3+$0x0], $0xffff;
	_ =	sdelay $0x4  }
0xcb: {  	[tilespmem:s24+$0x1C6F0] =	vst v1;
	v1 =	vld [tilespmem:s24+$0x1A710];
	_ =	sdelay $0x1  }
0xcc: {  	v0 =	vld.idx.msk [tilespmem:v0+s3+$0x0], $0xffff;
	_ =	sdelay $0x4  }
0xcd: {  	[tilespmem:s24+$0x1C700] =	vst v0  }
0xce: {  	v0 =	vld.idx.msk [tilespmem:v1+s3+$0x0], $0xffff;
	_ =	sdelay $0x4  }
0xcf: {  	s31 =	sadd.s32 s21, s10;
	s23 =	simm.s32 $0x0;
	[tilespmem:s24+$0x1C710] =	vst v0  }
0xd0: {  	[hbm4b:s31+s23] =	stream.linear.scatter [tilespmem:s15], [sflag:$0x1], $0x1000, $0x38;
	[tilespmem:$0x1E6A0] =	vst v63  }
0xd1: {  	_ =	swait.ge [sflag:s17], $0x1000  }
0xd2: {  	[sflag:s17] =	ssyncset.done $0x0  }
0xd3: {  	s22 =	simm.s32 $0x0;
	[sflag:s17] =	ssyncadd.s32 $0xFFFFF000  }
0xd4: {  	v0 =	vld [tilespmem:s22+$0x1B6A0];
	_ =	sdelay $0x5  }
0xd5: {  	v1 =	vld [tilespmem:s22+$0x1B6B0];
	_ =	sdelay $0x1  }
0xd6: {  	v0 =	vld.idx.msk [tilespmem:v0+s3+$0x0], $0xffff;
	_ =	sdelay $0x4  }
0xd7: {  	[tilespmem:s22+$0x1D6A0] =	vst v0;
	v0 =	vld [tilespmem:s22+$0x1B6C0]  }
0xd8: {  	v1 =	vld.idx.msk [tilespmem:v1+s3+$0x0], $0xffff;
	_ =	sdelay $0x4  }
0xd9: {  	[tilespmem:s22+$0x1D6B0] =	vst v1;
	v1 =	vld [tilespmem:s22+$0x1B6D0];
	_ =	sdelay $0x1  }
0xda: {  	v0 =	vld.idx.msk [tilespmem:v0+s3+$0x0], $0xffff;
	_ =	sdelay $0x4  }
0xdb: {  	[tilespmem:s22+$0x1D6C0] =	vst v0;
	v0 =	vld [tilespmem:s22+$0x1B6E0]  }
0xdc: {  	v1 =	vld.idx.msk [tilespmem:v1+s3+$0x0], $0xffff;
	_ =	sdelay $0x4  }
0xdd: {  	[tilespmem:s22+$0x1D6D0] =	vst v1;
	v1 =	vld [tilespmem:s22+$0x1B6F0];
	_ =	sdelay $0x1  }
0xde: {  	v0 =	vld.idx.msk [tilespmem:v0+s3+$0x0], $0xffff;
	_ =	sdelay $0x4  }
0xdf: {  	v2 =	vld [tilespmem:s22+$0x1B700];
	[tilespmem:s22+$0x1D6E0] =	vst v0  }
0xe0: {  	v0 =	vld.idx.msk [tilespmem:v1+s3+$0x0], $0xffff;
	_ =	sdelay $0x4  }
0xe1: {  	[tilespmem:s22+$0x1D6F0] =	vst v0;
	v0 =	vld [tilespmem:s22+$0x1B710];
	_ =	sdelay $0x1  }
0xe2: {  	v1 =	vld.idx.msk [tilespmem:v2+s3+$0x0], $0xffff;
	_ =	sdelay $0x3  }
0xe3: {  	s24 =	simm.s32 $0x80;
	s23 =	simm.s32 $0x400  }
.LBB2_9:
0xe4: {  	p0 =	sne.s32 s23, $0x3E00;
	v2 =	vld [tilespmem:s24+$0x1B6A0];
	[tilespmem:s22+$0x1D700] =	vst v1  }
0xe5: {  	v0 =	vld.idx.msk [tilespmem:v0+s3+$0x0], $0xffff;
	_ =	sdelay $0x5  }
0xe6: {  	v1 =	vld [tilespmem:s24+$0x1B6B0];
	[tilespmem:s22+$0x1D710] =	vst v0;
	s22 =	smov.u32 s24  }
0xe7: {  	v0 =	vld.idx.msk [tilespmem:v2+s3+$0x0], $0xffff;
	_ =	sdelay $0x5  }
0xe8: {  	[tilespmem:s22+$0x1D6A0] =	vst v0;
	v0 =	vld [tilespmem:s22+$0x1B6C0]  }
0xe9: {  	v1 =	vld.idx.msk [tilespmem:v1+s3+$0x0], $0xffff;
	_ =	sdelay $0x5  }
0xea: {  	[tilespmem:s22+$0x1D6B0] =	vst v1;
	v1 =	vld [tilespmem:s22+$0x1B6D0]  }
0xeb: {  	v0 =	vld.idx.msk [tilespmem:v0+s3+$0x0], $0xffff;
	_ =	sdelay $0x5  }
0xec: {  	[tilespmem:s22+$0x1D6C0] =	vst v0;
	v0 =	vld [tilespmem:s22+$0x1B6E0]  }
0xed: {  	v1 =	vld.idx.msk [tilespmem:v1+s3+$0x0], $0xffff;
	_ =	sdelay $0x5  }
0xee: {  	[tilespmem:s22+$0x1D6D0] =	vst v1;
	v1 =	vld [tilespmem:s22+$0x1B6F0]  }
0xef: {  	v0 =	vld.idx.msk [tilespmem:v0+s3+$0x0], $0xffff;
	_ =	sdelay $0x5  }
0xf0: {  	[tilespmem:s22+$0x1D6E0] =	vst v0;
	v2 =	vld [tilespmem:s22+$0x1B700]  }
0xf1: {  	v0 =	vld.idx.msk [tilespmem:v1+s3+$0x0], $0xffff;
	_ =	sdelay $0x5  }
0xf2: {  	[tilespmem:s22+$0x1D6F0] =	vst v0;
	v0 =	vld [tilespmem:s22+$0x1B710]  }
0xf3: {  	v1 =	vld.idx.msk [tilespmem:v2+s3+$0x0], $0xffff  }
.Ltmp3:
0xf4: {  	(pc) =	sbr.rel @p0 .LBB2_9-.Ltmp3, $2  }
0xf5: {  	_ =	sdelay $0x2  }
0xf6: {  	s24 =	sshra.s32 s23, $0x2;
	s23 =	sadd.s32 $0x200, s23  }
0xf7: {  	_ =	sdelay $0x1  }
0xf8: {  	v2 =	vld [tilespmem:s24+$0x1B6A0]  }
0xf9: {  	[tilespmem:s22+$0x1D700] =	vst v1  }
0xfa: {  	v0 =	vld.idx.msk [tilespmem:v0+s3+$0x0], $0xffff;
	_ =	sdelay $0x3  }
0xfb: {  	v1 =	vld [tilespmem:s24+$0x1B6B0]  }
0xfc: {  	[tilespmem:s22+$0x1D710] =	vst v0  }
0xfd: {  	v0 =	vld.idx.msk [tilespmem:v2+s3+$0x0], $0xffff;
	_ =	sdelay $0x3  }
0xfe: {  	v58 =	vld [tilespmem:s24+$0x1B6C0]  }
0xff: {  	[tilespmem:s24+$0x1D6A0] =	vst v0  }
0x100: {  	v1 =	vld.idx.msk [tilespmem:v1+s3+$0x0], $0xffff;
	_ =	sdelay $0x3  }
0x101: {  	v59 =	vld [tilespmem:s24+$0x1B6D0]  }
0x102: {  	[tilespmem:s24+$0x1D6B0] =	vst v1  }
0x103: {  	v0 =	vld.idx.msk [tilespmem:v58+s3+$0x0], $0xffff;
	_ =	sdelay $0x3  }
0x104: {  	v60 =	vld [tilespmem:s24+$0x1B6E0]  }
0x105: {  	[tilespmem:s24+$0x1D6C0] =	vst v0  }
0x106: {  	v1 =	vld.idx.msk [tilespmem:v59+s3+$0x0], $0xffff;
	_ =	sdelay $0x3  }
0x107: {  	v61 =	vld [tilespmem:s24+$0x1B6F0]  }
0x108: {  	[tilespmem:s24+$0x1D6D0] =	vst v1  }
0x109: {  	v0 =	vld.idx.msk [tilespmem:v60+s3+$0x0], $0xffff;
	_ =	sdelay $0x3  }
0x10a: {  	v62 =	vld [tilespmem:s24+$0x1B700]  }
0x10b: {  	[tilespmem:s24+$0x1D6E0] =	vst v0  }
0x10c: {  	v1 =	vld.idx.msk [tilespmem:v61+s3+$0x0], $0xffff;
	_ =	sdelay $0x3  }
0x10d: {  	v63 =	vld [tilespmem:s24+$0x1B710]  }
0x10e: {  	[tilespmem:s24+$0x1D6F0] =	vst v1  }
0x10f: {  	v0 =	vld.idx.msk [tilespmem:v62+s3+$0x0], $0xffff;
	_ =	sdelay $0x4  }
0x110: {  	[tilespmem:s24+$0x1D700] =	vst v0  }
0x111: {  	v0 =	vld.idx.msk [tilespmem:v63+s3+$0x0], $0xffff;
	_ =	sdelay $0x4  }
0x112: {  	s21 =	sadd.s32 s21, s11;
	s19 =	sadd.s32 $0x1, s19;
	[tilespmem:s24+$0x1D710] =	vst v0  }
0x113: {  	[hbm4b:s21+s3] =	stream.linear.scatter [tilespmem:s16], [sflag:$0x1], $0x1000, $0x38;
	[tilespmem:$0x1E6A0] =	vst v63  }
0x114: {  	p0 =	sne.s32 s19, $0x1A;
	_ =	swait.ge [sflag:s17], $0x1000  }
.Ltmp4:
0x115: {  	[sflag:s17] =	ssyncset.done $0x0;
	(pc) =	sbr.rel @p0 .LBB2_2-.Ltmp4, $4  }
0x116: {  	[sflag:s17] =	ssyncadd.s32 $0xFFFFF000  }
0x117: {  	_ =	swait.ge [sflag:s17], $0x1000  }
0x118: {  	[sflag:s17] =	ssyncset.done $0x0  }
0x119: {  	[sflag:s17] =	ssyncadd.s32 $0xFFFFF000  }
0x11a: {  	s18 =	sadd.s32 $0x1, s18  }
0x11b: {  	p0 =	sne.s32 s18, s12  }
.Ltmp5:
0x11c: {  	_ = 	snop;
	(pc) =	sbr.rel @p0 .LBB2_1-.Ltmp5, $1  }
0x11d: {  	_ =	sdelay $0x3  }
0x11e: {  	_ =	sfence.sel $0x180000  }
0x11f: {  	[bflag:$0x0] =	sbarrier.arrive $0xFFFF  }
0x120: {  	p0 =	sne.s32 s0, $0x0;
	_ =	strace $0x90000047  }
0x121: {  	s0 =	sadd.s32 @!p0 $0x100000, s1;
	[bflag:$0x2] =	sbarrier.arrive $0xFFFF  }
0x122: {  	[sflag:s0] =	ssyncadd.tile.s32 @!p0 $0x1;
	_ =	shalt  }
.Lfunc_end2:
_tile_overlayer_lowered:
.L_overlay_start_2:
0x123: {  	(tag) =	ssettag $0x2  }
0x124: {  	s0 =	rddreg [dreg:$0x0];
	s2 =	stileid.u32  }
0x125: {  	s1 =	rddreg [dreg:$0x1];
	p0 =	sne.s32 s2, $0x0  }
0x126: {  	s3 =	rddreg [dreg:$0x2];
	[bflag:$0x3] =	sbarrier.arrive $0xFFFF;
	s2 =	simm.s32 @!p0 $0x1C02  }
0x127: {  	[timem:s3], [sflag:s2] =	dma.local @!p0 [hbm:s0], s1  }
0x128: {  	s0 =	simm.s32 @!p0 $0x2  }
0x129: {  	_ =	swait.ge @!p0 [sflag:s0], s1  }
0x12a: {  	s1 =	ssub.s32 @!p0 $0x0, s1;
	[sflag:s0] =	ssyncset.done @!p0 $0x0  }
0x12b: {  	[sflag:s0] =	ssyncadd.s32 @!p0 s1  }
0x12c: {  	[bflag:$0x3] =	sbarrier.arrive $0xFFFF  }
0x12d: {  	_ =	shalt  }

</sc_bundles>
